<compile_context>
chip_gen: v7x
topology: tpu7x:2x2x1
jax: 0.10.2.dev20260603
libtpu: 0.0.44.dev20260713+nightly
codegen_flags: <defaults>
</compile_context>

<pallas_src>
import functools

import jax
import jax.numpy as jnp
from jax import lax
from jax.experimental import pallas as pl
from jax.experimental.pallas import tpu as pltpu
from jax.experimental.pallas import tpu_sc as plsc

_N = 320000
_D = 128
_S = 10000
_H = 256
_NW = 32
_SEGS = 320
_C = 256

_mesh = plsc.VectorSubcoreMesh(core_axis_name="c", subcore_axis_name="s")


@functools.partial(
    pl.kernel,
    mesh=_mesh,
    out_type=jax.ShapeDtypeStruct((_S, _D), jnp.float32),
    scratch_types=[
        pltpu.VMEM((64,), jnp.int32),
        pltpu.VMEM((_C + 16,), jnp.int32),
        pltpu.VMEM((_C, _D), jnp.float32),
        pltpu.VMEM((_SEGS + 8, _D), jnp.float32),
    ],
)
def _seg_max_sc(ids_hbm, feats_hbm, out_hbm, bwin, idsA, rowA, acc):
    wid = lax.axis_index("s") * 2 + lax.axis_index("c")
    slo = wid * _SEGS

    def lower_bound(target):
        def step(_, lohi):
            lo, hi = lohi
            mid = (lo + hi) // 2
            mid8 = pl.multiple_of(jnp.minimum((mid // 8) * 8, _N - 16), 8)
            pltpu.sync_copy(ids_hbm.at[pl.ds(mid8, 16)], bwin.at[pl.ds(0, 16)])
            less = bwin[pl.ds(mid - mid8, 16)][0] < target
            return (jnp.where(less, mid + 1, lo), jnp.where(less, hi, mid))
        lo, _hi = lax.fori_loop(0, 19, step, (jnp.int32(0), jnp.int32(_N)))
        return jnp.minimum(lo, jnp.int32(_N))

    start = lower_bound(slo)
    end = lower_bound(slo + _SEGS)

    neg = jnp.full((16,), -jnp.inf, dtype=jnp.float32)

    def initrow(r, carry):
        for t in range(_D // 16):
            acc[r, pl.ds(t * 16, 16)] = neg
        return carry

    lax.fori_loop(0, _SEGS + 8, initrow, 0)

    klo = start // _C
    khi = jnp.maximum((end + _C - 1) // _C, klo)

    def flush_off(prev_sid):
        owned = jnp.logical_and(prev_sid >= slo, prev_sid < slo + _SEGS)
        return jnp.where(owned, prev_sid - slo, _SEGS)

    def chunk(k, carry):
        base = pl.multiple_of(k * _C, 8)
        pltpu.sync_copy(ids_hbm.at[pl.ds(base, _C)], idsA.at[pl.ds(0, _C)])
        pltpu.sync_copy(feats_hbm.at[pl.ds(base, _C)], rowA)

        def row(j, c2):
            prev_sid, v = c2
            sid = idsA[pl.ds(j, 16)][0]
            changed = sid != prev_sid
            offp = flush_off(prev_sid)

            @pl.when(changed)
            def _flush():
                for t in range(_D // 16):
                    sl = pl.ds(t * 16, 16)
                    acc[offp, sl] = jnp.maximum(acc[offp, sl], v[t])

            pen = jnp.where(changed, jnp.float32(-jnp.inf), jnp.float32(0.0))
            nv = tuple(
                jnp.maximum(v[t] + pen, rowA[j, pl.ds(t * 16, 16)])
                for t in range(_D // 16))
            return (sid, nv)

        prev_sid, v = lax.fori_loop(
            0, _C, row, (jnp.int32(-1), (neg,) * (_D // 16)))
        offp = flush_off(prev_sid)
        for t in range(_D // 16):
            sl = pl.ds(t * 16, 16)
            acc[offp, sl] = jnp.maximum(acc[offp, sl], v[t])
        return carry

    lax.fori_loop(klo, khi, chunk, 0)

    slo8 = pl.multiple_of(wid * _SEGS, 8)

    @pl.when(wid < _NW - 1)
    def _copy_full():
        pltpu.sync_copy(acc.at[pl.ds(0, _SEGS)], out_hbm.at[pl.ds(slo8, _SEGS)])

    @pl.when(wid == _NW - 1)
    def _copy_tail():
        rem = _S - (_NW - 1) * _SEGS
        pltpu.sync_copy(acc.at[pl.ds(0, rem)], out_hbm.at[pl.ds(slo8, rem)])


_BM = 1000


def _mlp_body(p_ref, w1_ref, b1_ref, w2_ref, b2_ref, o_ref):
    p = p_ref[...]
    p = jnp.where(jnp.isfinite(p), p, 0.0)
    h = jnp.dot(p, w1_ref[...], preferred_element_type=jnp.float32)
    h = jnp.maximum(h + b1_ref[...], 0.0)
    o = jnp.dot(h, w2_ref[...], preferred_element_type=jnp.float32)
    o_ref[...] = o + b2_ref[...]


def _mlp(pooled, W1, b1, W2, b2):
    return pl.pallas_call(
        _mlp_body,
        grid=(_S // _BM,),
        in_specs=[
            pl.BlockSpec((_BM, _D), lambda i: (i, 0)),
            pl.BlockSpec((_D, _H), lambda i: (0, 0)),
            pl.BlockSpec((1, _H), lambda i: (0, 0)),
            pl.BlockSpec((_H, _D), lambda i: (0, 0)),
            pl.BlockSpec((1, _D), lambda i: (0, 0)),
        ],
        out_specs=pl.BlockSpec((_BM, _D), lambda i: (i, 0)),
        out_shape=jax.ShapeDtypeStruct((_S, _D), jnp.float32),
    )(pooled, W1, b1.reshape(1, _H), W2, b2.reshape(1, _D))


def kernel(feats, cluster_ids, W1, b1, W2, b2):
    pooled = _seg_max_sc(cluster_ids, feats)
    return _mlp(pooled, W1, b1, W2, b2)

# --- scband reference (transcript-rebuilt; emitter-appended) ---
"""Pipeline reference for scband-seg-sparse-vox-head-9199819948458 (READ-ONLY COPY).

The authoritative reference and input builder live on the scoring server;
editing this copy changes nothing except your own understanding.
"""

import jax, jax.numpy as jnp
import numpy as np

N = 320000
D = 128
H = 256
NUM_SEGMENTS = 10000


def setup_inputs(seed: int = 0) -> dict:
    key = jax.random.key(seed)
    k1, k2, k3, k4 = jax.random.split(key, 4)
    feats = jax.random.normal(k1, (N, D), dtype=jnp.float32)
    cluster_ids = jnp.sort(jax.random.randint(k2, (N,), 0, NUM_SEGMENTS, dtype=jnp.int32))
    # MLP head params per model_cfg.mlp_dim = [128, 256, 128]
    W1 = jax.random.normal(k3, (D, H), dtype=jnp.float32) * (1.0 / np.sqrt(D))
    b1 = jnp.zeros((H,), dtype=jnp.float32)
    W2 = jax.random.normal(k4, (H, D), dtype=jnp.float32) * (1.0 / np.sqrt(H))
    b2 = jnp.zeros((D,), dtype=jnp.float32)
    return {"feats": feats, "cluster_ids": cluster_ids, "W1": W1, "b1": b1, "W2": W2, "b2": b2}


def reference(feats, cluster_ids, W1, b1, W2, b2):
    # list_segments_points + MinkowskiGlobalMaxPooling == per-cluster max-reduce
    # of point features (dropout p=0.4 is identity in eval mode).
    pooled = jax.ops.segment_max(feats, cluster_ids, num_segments=NUM_SEGMENTS)
    # empty segments produce -inf in segment_max; zero them out
    pooled = jnp.where(jnp.isfinite(pooled), pooled, 0.0)
    # MLP head: Linear -> ReLU -> Linear
    h = jax.nn.relu(pooled @ W1 + b1)
    out = h @ W2 + b2
    return out

if __name__ == "__main__":
    import jax
    _d = setup_inputs()
    print(jax.jit(kernel)(*tuple(_d.values())))

</pallas_src>

<mosaic_0001>
#map = affine_map<(d0, d1) -> (0)>
#map1 = affine_map<(d0, d1) -> (0, 0)>
module attributes {stable_mosaic.version = 14 : i64} {
  func.func @_seg_max_sc(%arg0: i32, %arg1: i32, %arg2: memref<320000xi32, #tpu.memory_space<hbm>>, %arg3: memref<320000x128xf32, #tpu.memory_space<hbm>>, %arg4: memref<10000x128xf32, #tpu.memory_space<hbm>>, %arg5: memref<64xi32, #tpu.memory_space<vmem>>, %arg6: memref<272xi32, #tpu.memory_space<vmem>>, %arg7: memref<256x128xf32, #tpu.memory_space<vmem>>, %arg8: memref<328x128xf32, #tpu.memory_space<vmem>>) attributes {dimension_semantics = [#tpu.dimension_semantics<core_parallel>, #tpu.dimension_semantics<subcore_parallel>], iteration_bounds = array<i64: 2, 16>, scalar_prefetch = 0 : i64, scratch_operands = 4 : i64, tpu.core_type = #tpu.core_type<sc_vector_subcore>, window_params = [{transform_indices = #map}, {transform_indices = #map1}, {transform_indices = #map1}]} {
    %mul3A = arith.constant 2 : i32
    %mul3A_0 = arith.muli %arg1, %mul3A : i32
    %add3A = arith.addi %mul3A_0, %arg0 : i32
    %mul3A_1 = arith.constant 320 : i32
    %mul3A_2 = arith.muli %add3A, %mul3A_1 : i32
    %scan3A = arith.constant 0 : i32
    %scan3A_3 = arith.constant 320000 : i32
    %scan3A_4 = arith.constant 0 : i32
    %scan3A_5 = arith.constant 19 : i32
    %scan3A_6 = arith.addi %scan3A_4, %scan3A_5 : i32
    %scan3A_7 = arith.constant 1 : i32
    %scan3A_8:2 = scf.for %scan3A_90 = %scan3A_4 to %scan3A_6 step %scan3A_7 iter_args(%scan3A_91 = %scan3A, %scan3A_92 = %scan3A_3) -> (i32, i32)  : i32 {
      %add3A_93 = arith.addi %scan3A_91, %scan3A_92 : i32
      %jit3A_94 = arith.constant 2 : i32
      %div3A_95 = arith.divsi %add3A_93, %jit3A_94 : i32
      %sign3A_96 = arith.constant 0 : i32
      %sign3A_97 = arith.cmpi sgt, %add3A_93, %sign3A_96 : i32
      %sign3A_98 = arith.extui %sign3A_97 : i1 to i32
      %sign3A_99 = arith.constant 0 : i32
      %sign3A_100 = arith.cmpi slt, %add3A_93, %sign3A_99 : i32
      %sign3A_101 = arith.extui %sign3A_100 : i1 to i32
      %sign3A_102 = arith.subi %sign3A_98, %sign3A_101 : i32
      %sign3A_103 = arith.constant 0 : i32
      %sign3A_104 = arith.cmpi sgt, %jit3A_94, %sign3A_103 : i32
      %sign3A_105 = arith.extui %sign3A_104 : i1 to i32
      %sign3A_106 = arith.constant 0 : i32
      %sign3A_107 = arith.cmpi slt, %jit3A_94, %sign3A_106 : i32
      %sign3A_108 = arith.extui %sign3A_107 : i1 to i32
      %sign3A_109 = arith.subi %sign3A_105, %sign3A_108 : i32
      %ne3A_110 = arith.cmpi ne, %sign3A_102, %sign3A_109 : i32
      %rem3A_111 = arith.remsi %add3A_93, %jit3A_94 : i32
      %ne3A_112 = arith.constant 0 : i32
      %ne3A_113 = arith.cmpi ne, %rem3A_111, %ne3A_112 : i32
      %and3A_114 = arith.andi %ne3A_110, %ne3A_113 : i1
      %sub3A_115 = arith.constant 1 : i32
      %sub3A_116 = arith.subi %div3A_95, %sub3A_115 : i32
      %select_n3A_117 = arith.select %and3A_114, %sub3A_116, %div3A_95 : i32
      %jit3A_118 = arith.constant 8 : i32
      %div3A_119 = arith.divsi %select_n3A_117, %jit3A_118 : i32
      %sign3A_120 = arith.constant 0 : i32
      %sign3A_121 = arith.cmpi sgt, %select_n3A_117, %sign3A_120 : i32
      %sign3A_122 = arith.extui %sign3A_121 : i1 to i32
      %sign3A_123 = arith.constant 0 : i32
      %sign3A_124 = arith.cmpi slt, %select_n3A_117, %sign3A_123 : i32
      %sign3A_125 = arith.extui %sign3A_124 : i1 to i32
      %sign3A_126 = arith.subi %sign3A_122, %sign3A_125 : i32
      %sign3A_127 = arith.constant 0 : i32
      %sign3A_128 = arith.cmpi sgt, %jit3A_118, %sign3A_127 : i32
      %sign3A_129 = arith.extui %sign3A_128 : i1 to i32
      %sign3A_130 = arith.constant 0 : i32
      %sign3A_131 = arith.cmpi slt, %jit3A_118, %sign3A_130 : i32
      %sign3A_132 = arith.extui %sign3A_131 : i1 to i32
      %sign3A_133 = arith.subi %sign3A_129, %sign3A_132 : i32
      %ne3A_134 = arith.cmpi ne, %sign3A_126, %sign3A_133 : i32
      %rem3A_135 = arith.remsi %select_n3A_117, %jit3A_118 : i32
      %ne3A_136 = arith.constant 0 : i32
      %ne3A_137 = arith.cmpi ne, %rem3A_135, %ne3A_136 : i32
      %and3A_138 = arith.andi %ne3A_134, %ne3A_137 : i1
      %sub3A_139 = arith.constant 1 : i32
      %sub3A_140 = arith.subi %div3A_119, %sub3A_139 : i32
      %select_n3A_141 = arith.select %and3A_138, %sub3A_140, %div3A_119 : i32
      %mul3A_142 = arith.constant 8 : i32
      %mul3A_143 = arith.muli %select_n3A_141, %mul3A_142 : i32
      %min3A_144 = arith.constant 319984 : i32
      %min3A_145 = arith.minsi %mul3A_143, %min3A_144 : i32
      %multiple_of3A_146 = tpu.assume_multiple %min3A_145, 8 : i32
      "tpu.region"() ({
        %run_scoped3A = tpu.sem_alloc : memref<!tpu.dma_semaphore, #tpu.memory_space<semaphore_mem>>
        %dma_start3A = arith.constant 0 : i32
        %dma_start3A_155 = tpu.memref_slice %arg5[%dma_start3A] : memref<64xi32, #tpu.memory_space<vmem>> -> memref<16xi32, #tpu.memory_space<vmem>>
        %dma_start3A_156 = tpu.memref_slice %arg2[%multiple_of3A_146] : memref<320000xi32, #tpu.memory_space<hbm>> -> memref<16xi32, #tpu.memory_space<hbm>>
        %dma_start3A_157 = arith.constant 0 : i32
        %dma_start3A_158 = tpu.memref_slice %arg5[%dma_start3A_157] : memref<64xi32, #tpu.memory_space<vmem>> -> memref<16xi32, #tpu.memory_space<vmem>>
        %dma_start3A_159 = tpu.memref_slice %arg2[%multiple_of3A_146] : memref<320000xi32, #tpu.memory_space<hbm>> -> memref<16xi32, #tpu.memory_space<hbm>>
        tpu.enqueue_dma source(%dma_start3A_159 : memref<16xi32, #tpu.memory_space<hbm>>) target(%dma_start3A_158 : memref<16xi32, #tpu.memory_space<vmem>>) target_semaphore(%run_scoped3A : memref<!tpu.dma_semaphore, #tpu.memory_space<semaphore_mem>>)
        %dma_wait3A = arith.constant 0 : i32
        %dma_wait3A_160 = tpu.memref_slice %arg5[%dma_wait3A] : memref<64xi32, #tpu.memory_space<vmem>> -> memref<16xi32, #tpu.memory_space<vmem>>
        %dma_wait3A_161 = tpu.memref_slice %arg2[%multiple_of3A_146] : memref<320000xi32, #tpu.memory_space<hbm>> -> memref<16xi32, #tpu.memory_space<hbm>>
        %dma_wait3A_162 = arith.constant 0 : i32
        %dma_wait3A_163 = tpu.memref_slice %arg5[%dma_wait3A_162] : memref<64xi32, #tpu.memory_space<vmem>> -> memref<16xi32, #tpu.memory_space<vmem>>
        %dma_wait3A_164 = tpu.memref_slice %arg2[%multiple_of3A_146] : memref<320000xi32, #tpu.memory_space<hbm>> -> memref<16xi32, #tpu.memory_space<hbm>>
        tpu.wait_dma2 semaphore(%run_scoped3A : memref<!tpu.dma_semaphore, #tpu.memory_space<semaphore_mem>>) src(%dma_wait3A_164 : memref<16xi32, #tpu.memory_space<hbm>>) dst(%dma_wait3A_163 : memref<16xi32, #tpu.memory_space<vmem>>)
        tpu.yield
      }) : () -> ()
      %sub3A_147 = arith.subi %select_n3A_117, %multiple_of3A_146 : i32
      %get3A = arith.index_cast %sub3A_147 : i32 to index
      %get3A_148 = tpu.vector_load %arg5[%get3A] {strides = array<i32>} : memref<64xi32, #tpu.memory_space<vmem>>, vector<16xi32>,
      %get3A_149 = vector.shape_cast %get3A_148 : vector<16xi32> to vector<16xi32>
      %slice3A = vector.extract_strided_slice %get3A_149 {offsets = [0], sizes = [1], strides = [1]} : vector<16xi32> to vector<1xi32>
      %squeeze3A = vector.extract %slice3A[0] : i32 from vector<1xi32>
      %lt3A_150 = arith.cmpi slt, %squeeze3A, %mul3A_2 : i32
      %add3A_151 = arith.constant 1 : i32
      %add3A_152 = arith.addi %select_n3A_117, %add3A_151 : i32
      %select_n3A_153 = arith.select %lt3A_150, %add3A_152, %scan3A_91 : i32
      %select_n3A_154 = arith.select %lt3A_150, %scan3A_92, %select_n3A_117 : i32
      scf.yield %select_n3A_153, %select_n3A_154 : i32, i32
    }
    %scan3A_9 = arith.constant 19 : i32
    %min3A = arith.constant 320000 : i32
    %min3A_10 = arith.minsi %scan3A_8#0, %min3A : i32
    %add3A_11 = arith.constant 320 : i32
    %add3A_12 = arith.addi %mul3A_2, %add3A_11 : i32
    %scan3A_13 = arith.constant 0 : i32
    %scan3A_14 = arith.constant 320000 : i32
    %scan3A_15 = arith.constant 0 : i32
    %scan3A_16 = arith.constant 19 : i32
    %scan3A_17 = arith.addi %scan3A_15, %scan3A_16 : i32
    %scan3A_18 = arith.constant 1 : i32
    %scan3A_19:2 = scf.for %scan3A_90 = %scan3A_15 to %scan3A_17 step %scan3A_18 iter_args(%scan3A_91 = %scan3A_13, %scan3A_92 = %scan3A_14) -> (i32, i32)  : i32 {
      %add3A_93 = arith.addi %scan3A_91, %scan3A_92 : i32
      %jit3A_94 = arith.constant 2 : i32
      %div3A_95 = arith.divsi %add3A_93, %jit3A_94 : i32
      %sign3A_96 = arith.constant 0 : i32
      %sign3A_97 = arith.cmpi sgt, %add3A_93, %sign3A_96 : i32
      %sign3A_98 = arith.extui %sign3A_97 : i1 to i32
      %sign3A_99 = arith.constant 0 : i32
      %sign3A_100 = arith.cmpi slt, %add3A_93, %sign3A_99 : i32
      %sign3A_101 = arith.extui %sign3A_100 : i1 to i32
      %sign3A_102 = arith.subi %sign3A_98, %sign3A_101 : i32
      %sign3A_103 = arith.constant 0 : i32
      %sign3A_104 = arith.cmpi sgt, %jit3A_94, %sign3A_103 : i32
      %sign3A_105 = arith.extui %sign3A_104 : i1 to i32
      %sign3A_106 = arith.constant 0 : i32
      %sign3A_107 = arith.cmpi slt, %jit3A_94, %sign3A_106 : i32
      %sign3A_108 = arith.extui %sign3A_107 : i1 to i32
      %sign3A_109 = arith.subi %sign3A_105, %sign3A_108 : i32
      %ne3A_110 = arith.cmpi ne, %sign3A_102, %sign3A_109 : i32
      %rem3A_111 = arith.remsi %add3A_93, %jit3A_94 : i32
      %ne3A_112 = arith.constant 0 : i32
      %ne3A_113 = arith.cmpi ne, %rem3A_111, %ne3A_112 : i32
      %and3A_114 = arith.andi %ne3A_110, %ne3A_113 : i1
      %sub3A_115 = arith.constant 1 : i32
      %sub3A_116 = arith.subi %div3A_95, %sub3A_115 : i32
      %select_n3A_117 = arith.select %and3A_114, %sub3A_116, %div3A_95 : i32
      %jit3A_118 = arith.constant 8 : i32
      %div3A_119 = arith.divsi %select_n3A_117, %jit3A_118 : i32
      %sign3A_120 = arith.constant 0 : i32
      %sign3A_121 = arith.cmpi sgt, %select_n3A_117, %sign3A_120 : i32
      %sign3A_122 = arith.extui %sign3A_121 : i1 to i32
      %sign3A_123 = arith.constant 0 : i32
      %sign3A_124 = arith.cmpi slt, %select_n3A_117, %sign3A_123 : i32
      %sign3A_125 = arith.extui %sign3A_124 : i1 to i32
      %sign3A_126 = arith.subi %sign3A_122, %sign3A_125 : i32
      %sign3A_127 = arith.constant 0 : i32
      %sign3A_128 = arith.cmpi sgt, %jit3A_118, %sign3A_127 : i32
      %sign3A_129 = arith.extui %sign3A_128 : i1 to i32
      %sign3A_130 = arith.constant 0 : i32
      %sign3A_131 = arith.cmpi slt, %jit3A_118, %sign3A_130 : i32
      %sign3A_132 = arith.extui %sign3A_131 : i1 to i32
      %sign3A_133 = arith.subi %sign3A_129, %sign3A_132 : i32
      %ne3A_134 = arith.cmpi ne, %sign3A_126, %sign3A_133 : i32
      %rem3A_135 = arith.remsi %select_n3A_117, %jit3A_118 : i32
      %ne3A_136 = arith.constant 0 : i32
      %ne3A_137 = arith.cmpi ne, %rem3A_135, %ne3A_136 : i32
      %and3A_138 = arith.andi %ne3A_134, %ne3A_137 : i1
      %sub3A_139 = arith.constant 1 : i32
      %sub3A_140 = arith.subi %div3A_119, %sub3A_139 : i32
      %select_n3A_141 = arith.select %and3A_138, %sub3A_140, %div3A_119 : i32
      %mul3A_142 = arith.constant 8 : i32
      %mul3A_143 = arith.muli %select_n3A_141, %mul3A_142 : i32
      %min3A_144 = arith.constant 319984 : i32
      %min3A_145 = arith.minsi %mul3A_143, %min3A_144 : i32
      %multiple_of3A_146 = tpu.assume_multiple %min3A_145, 8 : i32
      "tpu.region"() ({
        %run_scoped3A = tpu.sem_alloc : memref<!tpu.dma_semaphore, #tpu.memory_space<semaphore_mem>>
        %dma_start3A = arith.constant 0 : i32
        %dma_start3A_155 = tpu.memref_slice %arg5[%dma_start3A] : memref<64xi32, #tpu.memory_space<vmem>> -> memref<16xi32, #tpu.memory_space<vmem>>
        %dma_start3A_156 = tpu.memref_slice %arg2[%multiple_of3A_146] : memref<320000xi32, #tpu.memory_space<hbm>> -> memref<16xi32, #tpu.memory_space<hbm>>
        %dma_start3A_157 = arith.constant 0 : i32
        %dma_start3A_158 = tpu.memref_slice %arg5[%dma_start3A_157] : memref<64xi32, #tpu.memory_space<vmem>> -> memref<16xi32, #tpu.memory_space<vmem>>
        %dma_start3A_159 = tpu.memref_slice %arg2[%multiple_of3A_146] : memref<320000xi32, #tpu.memory_space<hbm>> -> memref<16xi32, #tpu.memory_space<hbm>>
        tpu.enqueue_dma source(%dma_start3A_159 : memref<16xi32, #tpu.memory_space<hbm>>) target(%dma_start3A_158 : memref<16xi32, #tpu.memory_space<vmem>>) target_semaphore(%run_scoped3A : memref<!tpu.dma_semaphore, #tpu.memory_space<semaphore_mem>>)
        %dma_wait3A = arith.constant 0 : i32
        %dma_wait3A_160 = tpu.memref_slice %arg5[%dma_wait3A] : memref<64xi32, #tpu.memory_space<vmem>> -> memref<16xi32, #tpu.memory_space<vmem>>
        %dma_wait3A_161 = tpu.memref_slice %arg2[%multiple_of3A_146] : memref<320000xi32, #tpu.memory_space<hbm>> -> memref<16xi32, #tpu.memory_space<hbm>>
        %dma_wait3A_162 = arith.constant 0 : i32
        %dma_wait3A_163 = tpu.memref_slice %arg5[%dma_wait3A_162] : memref<64xi32, #tpu.memory_space<vmem>> -> memref<16xi32, #tpu.memory_space<vmem>>
        %dma_wait3A_164 = tpu.memref_slice %arg2[%multiple_of3A_146] : memref<320000xi32, #tpu.memory_space<hbm>> -> memref<16xi32, #tpu.memory_space<hbm>>
        tpu.wait_dma2 semaphore(%run_scoped3A : memref<!tpu.dma_semaphore, #tpu.memory_space<semaphore_mem>>) src(%dma_wait3A_164 : memref<16xi32, #tpu.memory_space<hbm>>) dst(%dma_wait3A_163 : memref<16xi32, #tpu.memory_space<vmem>>)
        tpu.yield
      }) : () -> ()
      %sub3A_147 = arith.subi %select_n3A_117, %multiple_of3A_146 : i32
      %get3A = arith.index_cast %sub3A_147 : i32 to index
      %get3A_148 = tpu.vector_load %arg5[%get3A] {strides = array<i32>} : memref<64xi32, #tpu.memory_space<vmem>>, vector<16xi32>,
      %get3A_149 = vector.shape_cast %get3A_148 : vector<16xi32> to vector<16xi32>
      %slice3A = vector.extract_strided_slice %get3A_149 {offsets = [0], sizes = [1], strides = [1]} : vector<16xi32> to vector<1xi32>
      %squeeze3A = vector.extract %slice3A[0] : i32 from vector<1xi32>
      %lt3A_150 = arith.cmpi slt, %squeeze3A, %add3A_12 : i32
      %add3A_151 = arith.constant 1 : i32
      %add3A_152 = arith.addi %select_n3A_117, %add3A_151 : i32
      %select_n3A_153 = arith.select %lt3A_150, %add3A_152, %scan3A_91 : i32
      %select_n3A_154 = arith.select %lt3A_150, %scan3A_92, %select_n3A_117 : i32
      scf.yield %select_n3A_153, %select_n3A_154 : i32, i32
    }
    %scan3A_20 = arith.constant 19 : i32
    %min3A_21 = arith.constant 320000 : i32
    %min3A_22 = arith.minsi %scan3A_19#0, %min3A_21 : i32
    %broadcast_in_dim3A = arith.constant 0xFF800000 : f32
    %broadcast_in_dim3A_23 = vector.broadcast %broadcast_in_dim3A : f32 to vector<16xf32>
    %scan3A_24 = arith.constant 0 : i32
    %scan3A_25 = arith.constant 0 : i32
    %scan3A_26 = arith.constant 328 : i32
    %scan3A_27 = arith.addi %scan3A_25, %scan3A_26 : i32
    %scan3A_28 = arith.constant 1 : i32
    scf.for %scan3A_90 = %scan3A_25 to %scan3A_27 step %scan3A_28  : i32 {
      %swap3A = arith.index_cast %scan3A_90 : i32 to index
      %swap3A_91 = arith.constant 0 : index
      %swap3A_92 = tpu.vector_load %arg8[%swap3A, %swap3A_91] {strides = array<i32>} : memref<328x128xf32, #tpu.memory_space<vmem>>, vector<1x16xf32>,
      %swap3A_93 = vector.shape_cast %swap3A_92 : vector<1x16xf32> to vector<16xf32>
      %swap3A_94 = vector.shape_cast %broadcast_in_dim3A_23 : vector<16xf32> to vector<1x16xf32>
      tpu.vector_store %arg8[%swap3A, %swap3A_91], %swap3A_94 {strides = array<i32>} : memref<328x128xf32, #tpu.memory_space<vmem>>, vector<1x16xf32>,
      %swap3A_95 = arith.index_cast %scan3A_90 : i32 to index
      %swap3A_96 = arith.constant 16 : index
      %swap3A_97 = tpu.vector_load %arg8[%swap3A_95, %swap3A_96] {strides = array<i32>} : memref<328x128xf32, #tpu.memory_space<vmem>>, vector<1x16xf32>,
      %swap3A_98 = vector.shape_cast %swap3A_97 : vector<1x16xf32> to vector<16xf32>
      %swap3A_99 = vector.shape_cast %broadcast_in_dim3A_23 : vector<16xf32> to vector<1x16xf32>
      tpu.vector_store %arg8[%swap3A_95, %swap3A_96], %swap3A_99 {strides = array<i32>} : memref<328x128xf32, #tpu.memory_space<vmem>>, vector<1x16xf32>,
      %swap3A_100 = arith.index_cast %scan3A_90 : i32 to index
      %swap3A_101 = arith.constant 32 : index
      %swap3A_102 = tpu.vector_load %arg8[%swap3A_100, %swap3A_101] {strides = array<i32>} : memref<328x128xf32, #tpu.memory_space<vmem>>, vector<1x16xf32>,
      %swap3A_103 = vector.shape_cast %swap3A_102 : vector<1x16xf32> to vector<16xf32>
      %swap3A_104 = vector.shape_cast %broadcast_in_dim3A_23 : vector<16xf32> to vector<1x16xf32>
      tpu.vector_store %arg8[%swap3A_100, %swap3A_101], %swap3A_104 {strides = array<i32>} : memref<328x128xf32, #tpu.memory_space<vmem>>, vector<1x16xf32>,
      %swap3A_105 = arith.index_cast %scan3A_90 : i32 to index
      %swap3A_106 = arith.constant 48 : index
      %swap3A_107 = tpu.vector_load %arg8[%swap3A_105, %swap3A_106] {strides = array<i32>} : memref<328x128xf32, #tpu.memory_space<vmem>>, vector<1x16xf32>,
      %swap3A_108 = vector.shape_cast %swap3A_107 : vector<1x16xf32> to vector<16xf32>
      %swap3A_109 = vector.shape_cast %broadcast_in_dim3A_23 : vector<16xf32> to vector<1x16xf32>
      tpu.vector_store %arg8[%swap3A_105, %swap3A_106], %swap3A_109 {strides = array<i32>} : memref<328x128xf32, #tpu.memory_space<vmem>>, vector<1x16xf32>,
      %swap3A_110 = arith.index_cast %scan3A_90 : i32 to index
      %swap3A_111 = arith.constant 64 : index
      %swap3A_112 = tpu.vector_load %arg8[%swap3A_110, %swap3A_111] {strides = array<i32>} : memref<328x128xf32, #tpu.memory_space<vmem>>, vector<1x16xf32>,
      %swap3A_113 = vector.shape_cast %swap3A_112 : vector<1x16xf32> to vector<16xf32>
      %swap3A_114 = vector.shape_cast %broadcast_in_dim3A_23 : vector<16xf32> to vector<1x16xf32>
      tpu.vector_store %arg8[%swap3A_110, %swap3A_111], %swap3A_114 {strides = array<i32>} : memref<328x128xf32, #tpu.memory_space<vmem>>, vector<1x16xf32>,
      %swap3A_115 = arith.index_cast %scan3A_90 : i32 to index
      %swap3A_116 = arith.constant 80 : index
      %swap3A_117 = tpu.vector_load %arg8[%swap3A_115, %swap3A_116] {strides = array<i32>} : memref<328x128xf32, #tpu.memory_space<vmem>>, vector<1x16xf32>,
      %swap3A_118 = vector.shape_cast %swap3A_117 : vector<1x16xf32> to vector<16xf32>
      %swap3A_119 = vector.shape_cast %broadcast_in_dim3A_23 : vector<16xf32> to vector<1x16xf32>
      tpu.vector_store %arg8[%swap3A_115, %swap3A_116], %swap3A_119 {strides = array<i32>} : memref<328x128xf32, #tpu.memory_space<vmem>>, vector<1x16xf32>,
      %swap3A_120 = arith.index_cast %scan3A_90 : i32 to index
      %swap3A_121 = arith.constant 96 : index
      %swap3A_122 = tpu.vector_load %arg8[%swap3A_120, %swap3A_121] {strides = array<i32>} : memref<328x128xf32, #tpu.memory_space<vmem>>, vector<1x16xf32>,
      %swap3A_123 = vector.shape_cast %swap3A_122 : vector<1x16xf32> to vector<16xf32>
      %swap3A_124 = vector.shape_cast %broadcast_in_dim3A_23 : vector<16xf32> to vector<1x16xf32>
      tpu.vector_store %arg8[%swap3A_120, %swap3A_121], %swap3A_124 {strides = array<i32>} : memref<328x128xf32, #tpu.memory_space<vmem>>, vector<1x16xf32>,
      %swap3A_125 = arith.index_cast %scan3A_90 : i32 to index
      %swap3A_126 = arith.constant 112 : index
      %swap3A_127 = tpu.vector_load %arg8[%swap3A_125, %swap3A_126] {strides = array<i32>} : memref<328x128xf32, #tpu.memory_space<vmem>>, vector<1x16xf32>,
      %swap3A_128 = vector.shape_cast %swap3A_127 : vector<1x16xf32> to vector<16xf32>
      %swap3A_129 = vector.shape_cast %broadcast_in_dim3A_23 : vector<16xf32> to vector<1x16xf32>
      tpu.vector_store %arg8[%swap3A_125, %swap3A_126], %swap3A_129 {strides = array<i32>} : memref<328x128xf32, #tpu.memory_space<vmem>>, vector<1x16xf32>,
    }
    %scan3A_29 = arith.constant 328 : i32
    %jit3A = arith.constant 256 : i32
    %div3A = arith.divsi %min3A_10, %jit3A : i32
    %sign3A = arith.constant 0 : i32
    %sign3A_30 = arith.cmpi sgt, %min3A_10, %sign3A : i32
    %sign3A_31 = arith.extui %sign3A_30 : i1 to i32
    %sign3A_32 = arith.constant 0 : i32
    %sign3A_33 = arith.cmpi slt, %min3A_10, %sign3A_32 : i32
    %sign3A_34 = arith.extui %sign3A_33 : i1 to i32
    %sign3A_35 = arith.subi %sign3A_31, %sign3A_34 : i32
    %sign3A_36 = arith.constant 0 : i32
    %sign3A_37 = arith.cmpi sgt, %jit3A, %sign3A_36 : i32
    %sign3A_38 = arith.extui %sign3A_37 : i1 to i32
    %sign3A_39 = arith.constant 0 : i32
    %sign3A_40 = arith.cmpi slt, %jit3A, %sign3A_39 : i32
    %sign3A_41 = arith.extui %sign3A_40 : i1 to i32
    %sign3A_42 = arith.subi %sign3A_38, %sign3A_41 : i32
    %ne3A = arith.cmpi ne, %sign3A_35, %sign3A_42 : i32
    %rem3A = arith.remsi %min3A_10, %jit3A : i32
    %ne3A_43 = arith.constant 0 : i32
    %ne3A_44 = arith.cmpi ne, %rem3A, %ne3A_43 : i32
    %and3A = arith.andi %ne3A, %ne3A_44 : i1
    %sub3A = arith.constant 1 : i32
    %sub3A_45 = arith.subi %div3A, %sub3A : i32
    %select_n3A = arith.select %and3A, %sub3A_45, %div3A : i32
    %add3A_46 = arith.constant 256 : i32
    %add3A_47 = arith.addi %min3A_22, %add3A_46 : i32
    %sub3A_48 = arith.constant 1 : i32
    %sub3A_49 = arith.subi %add3A_47, %sub3A_48 : i32
    %jit3A_50 = arith.constant 256 : i32
    %div3A_51 = arith.divsi %sub3A_49, %jit3A_50 : i32
    %sign3A_52 = arith.constant 0 : i32
    %sign3A_53 = arith.cmpi sgt, %sub3A_49, %sign3A_52 : i32
    %sign3A_54 = arith.extui %sign3A_53 : i1 to i32
    %sign3A_55 = arith.constant 0 : i32
    %sign3A_56 = arith.cmpi slt, %sub3A_49, %sign3A_55 : i32
    %sign3A_57 = arith.extui %sign3A_56 : i1 to i32
    %sign3A_58 = arith.subi %sign3A_54, %sign3A_57 : i32
    %sign3A_59 = arith.constant 0 : i32
    %sign3A_60 = arith.cmpi sgt, %jit3A_50, %sign3A_59 : i32
    %sign3A_61 = arith.extui %sign3A_60 : i1 to i32
    %sign3A_62 = arith.constant 0 : i32
    %sign3A_63 = arith.cmpi slt, %jit3A_50, %sign3A_62 : i32
    %sign3A_64 = arith.extui %sign3A_63 : i1 to i32
    %sign3A_65 = arith.subi %sign3A_61, %sign3A_64 : i32
    %ne3A_66 = arith.cmpi ne, %sign3A_58, %sign3A_65 : i32
    %rem3A_67 = arith.remsi %sub3A_49, %jit3A_50 : i32
    %ne3A_68 = arith.constant 0 : i32
    %ne3A_69 = arith.cmpi ne, %rem3A_67, %ne3A_68 : i32
    %and3A_70 = arith.andi %ne3A_66, %ne3A_69 : i1
    %sub3A_71 = arith.constant 1 : i32
    %sub3A_72 = arith.subi %div3A_51, %sub3A_71 : i32
    %select_n3A_73 = arith.select %and3A_70, %sub3A_72, %div3A_51 : i32
    %max3A = arith.maxsi %select_n3A_73, %select_n3A : i32
    %while3A = arith.constant 0 : i32
    %while3A_74 = arith.subi %max3A, %select_n3A : i32
    %while3A_75 = arith.addi %select_n3A, %while3A_74 : i32
    %while3A_76 = arith.constant 1 : i32
    %while3A_77 = arith.divsi %while3A_74, %while3A_76 : i32
    %while3A_78 = arith.muli %while3A_77, %while3A_76 : i32
    %while3A_79 = arith.addi %select_n3A, %while3A_78 : i32
    %while3A_80 = arith.constant 1 : i32
    scf.for %while3A_90 = %select_n3A to %while3A_79 step %while3A_80  : i32 {
      %mul3A_91 = arith.constant 256 : i32
      %mul3A_92 = arith.muli %while3A_90, %mul3A_91 : i32
      %multiple_of3A_93 = tpu.assume_multiple %mul3A_92, 8 : i32
      "tpu.region"() ({
        %run_scoped3A = tpu.sem_alloc : memref<!tpu.dma_semaphore, #tpu.memory_space<semaphore_mem>>
        %dma_start3A = arith.constant 0 : i32
        %dma_start3A_186 = tpu.memref_slice %arg6[%dma_start3A] : memref<272xi32, #tpu.memory_space<vmem>> -> memref<256xi32, #tpu.memory_space<vmem>>
        %dma_start3A_187 = tpu.memref_slice %arg2[%multiple_of3A_93] : memref<320000xi32, #tpu.memory_space<hbm>> -> memref<256xi32, #tpu.memory_space<hbm>>
        %dma_start3A_188 = arith.constant 0 : i32
        %dma_start3A_189 = tpu.memref_slice %arg6[%dma_start3A_188] : memref<272xi32, #tpu.memory_space<vmem>> -> memref<256xi32, #tpu.memory_space<vmem>>
        %dma_start3A_190 = tpu.memref_slice %arg2[%multiple_of3A_93] : memref<320000xi32, #tpu.memory_space<hbm>> -> memref<256xi32, #tpu.memory_space<hbm>>
        tpu.enqueue_dma source(%dma_start3A_190 : memref<256xi32, #tpu.memory_space<hbm>>) target(%dma_start3A_189 : memref<256xi32, #tpu.memory_space<vmem>>) target_semaphore(%run_scoped3A : memref<!tpu.dma_semaphore, #tpu.memory_space<semaphore_mem>>)
        %dma_wait3A = arith.constant 0 : i32
        %dma_wait3A_191 = tpu.memref_slice %arg6[%dma_wait3A] : memref<272xi32, #tpu.memory_space<vmem>> -> memref<256xi32, #tpu.memory_space<vmem>>
        %dma_wait3A_192 = tpu.memref_slice %arg2[%multiple_of3A_93] : memref<320000xi32, #tpu.memory_space<hbm>> -> memref<256xi32, #tpu.memory_space<hbm>>
        %dma_wait3A_193 = arith.constant 0 : i32
        %dma_wait3A_194 = tpu.memref_slice %arg6[%dma_wait3A_193] : memref<272xi32, #tpu.memory_space<vmem>> -> memref<256xi32, #tpu.memory_space<vmem>>
        %dma_wait3A_195 = tpu.memref_slice %arg2[%multiple_of3A_93] : memref<320000xi32, #tpu.memory_space<hbm>> -> memref<256xi32, #tpu.memory_space<hbm>>
        tpu.wait_dma2 semaphore(%run_scoped3A : memref<!tpu.dma_semaphore, #tpu.memory_space<semaphore_mem>>) src(%dma_wait3A_195 : memref<256xi32, #tpu.memory_space<hbm>>) dst(%dma_wait3A_194 : memref<256xi32, #tpu.memory_space<vmem>>)
        tpu.yield
      }) : () -> ()
      "tpu.region"() ({
        %run_scoped3A = tpu.sem_alloc : memref<!tpu.dma_semaphore, #tpu.memory_space<semaphore_mem>>
        %dma_start3A = arith.constant 0 : i32
        %dma_start3A_186 = tpu.memref_slice %arg3[%multiple_of3A_93, %dma_start3A] : memref<320000x128xf32, #tpu.memory_space<hbm>> -> memref<256x128xf32, #tpu.memory_space<hbm>>
        %dma_start3A_187 = arith.constant 0 : i32
        %dma_start3A_188 = tpu.memref_slice %arg3[%multiple_of3A_93, %dma_start3A_187] : memref<320000x128xf32, #tpu.memory_space<hbm>> -> memref<256x128xf32, #tpu.memory_space<hbm>>
        tpu.enqueue_dma source(%dma_start3A_188 : memref<256x128xf32, #tpu.memory_space<hbm>>) target(%arg7 : memref<256x128xf32, #tpu.memory_space<vmem>>) target_semaphore(%run_scoped3A : memref<!tpu.dma_semaphore, #tpu.memory_space<semaphore_mem>>)
        %dma_wait3A = arith.constant 0 : i32
        %dma_wait3A_189 = tpu.memref_slice %arg3[%multiple_of3A_93, %dma_wait3A] : memref<320000x128xf32, #tpu.memory_space<hbm>> -> memref<256x128xf32, #tpu.memory_space<hbm>>
        %dma_wait3A_190 = arith.constant 0 : i32
        %dma_wait3A_191 = tpu.memref_slice %arg3[%multiple_of3A_93, %dma_wait3A_190] : memref<320000x128xf32, #tpu.memory_space<hbm>> -> memref<256x128xf32, #tpu.memory_space<hbm>>
        tpu.wait_dma2 semaphore(%run_scoped3A : memref<!tpu.dma_semaphore, #tpu.memory_space<semaphore_mem>>) src(%dma_wait3A_191 : memref<256x128xf32, #tpu.memory_space<hbm>>) dst(%arg7 : memref<256x128xf32, #tpu.memory_space<vmem>>)
        tpu.yield
      }) : () -> ()
      %scan3A_94 = arith.constant -1 : i32
      %scan3A_95 = arith.constant 0 : i32
      %scan3A_96 = arith.constant 256 : i32
      %scan3A_97 = arith.addi %scan3A_95, %scan3A_96 : i32
      %scan3A_98 = arith.constant 1 : i32
      %scan3A_99:9 = scf.for %scan3A_186 = %scan3A_95 to %scan3A_97 step %scan3A_98 iter_args(%scan3A_187 = %scan3A_94, %scan3A_188 = %broadcast_in_dim3A_23, %scan3A_189 = %broadcast_in_dim3A_23, %scan3A_190 = %broadcast_in_dim3A_23, %scan3A_191 = %broadcast_in_dim3A_23, %scan3A_192 = %broadcast_in_dim3A_23, %scan3A_193 = %broadcast_in_dim3A_23, %scan3A_194 = %broadcast_in_dim3A_23, %scan3A_195 = %broadcast_in_dim3A_23) -> (i32, vector<16xf32>, vector<16xf32>, vector<16xf32>, vector<16xf32>, vector<16xf32>, vector<16xf32>, vector<16xf32>, vector<16xf32>)  : i32 {
        %get3A_196 = arith.index_cast %scan3A_186 : i32 to index
        %get3A_197 = tpu.vector_load %arg6[%get3A_196] {strides = array<i32>} : memref<272xi32, #tpu.memory_space<vmem>>, vector<16xi32>,
        %get3A_198 = vector.shape_cast %get3A_197 : vector<16xi32> to vector<16xi32>
        %slice3A = vector.extract_strided_slice %get3A_198 {offsets = [0], sizes = [1], strides = [1]} : vector<16xi32> to vector<1xi32>
        %squeeze3A = vector.extract %slice3A[0] : i32 from vector<1xi32>
        %ne3A_199 = arith.cmpi ne, %squeeze3A, %scan3A_187 : i32
        %ge3A_200 = arith.cmpi sge, %scan3A_187, %mul3A_2 : i32
        %add3A_201 = arith.constant 320 : i32
        %add3A_202 = arith.addi %mul3A_2, %add3A_201 : i32
        %lt3A_203 = arith.cmpi slt, %scan3A_187, %add3A_202 : i32
        %and3A_204 = arith.andi %ge3A_200, %lt3A_203 : i1
        %sub3A_205 = arith.subi %scan3A_187, %mul3A_2 : i32
        %jit3A_206 = arith.constant 320 : i32
        %select_n3A_207 = arith.select %and3A_204, %sub3A_205, %jit3A_206 : i32
        %convert_element_type3A_208 = arith.extui %ne3A_199 : i1 to i32
        %cond3A_209 = arith.constant 0 : i32
        %cond3A_210 = arith.cmpi ne, %convert_element_type3A_208, %cond3A_209 : i32
        scf.if %cond3A_210 {
          %get3A_270 = arith.index_cast %select_n3A_207 : i32 to index
          %get3A_271 = arith.constant 0 : index
          %get3A_272 = tpu.vector_load %arg8[%get3A_270, %get3A_271] {strides = array<i32>} : memref<328x128xf32, #tpu.memory_space<vmem>>, vector<1x16xf32>,
          %get3A_273 = vector.shape_cast %get3A_272 : vector<1x16xf32> to vector<16xf32>
          %max3A_274 = arith.maximumf %get3A_273, %scan3A_188 : vector<16xf32>
          %swap3A_275 = arith.index_cast %select_n3A_207 : i32 to index
          %swap3A_276 = arith.constant 0 : index
          %swap3A_277 = tpu.vector_load %arg8[%swap3A_275, %swap3A_276] {strides = array<i32>} : memref<328x128xf32, #tpu.memory_space<vmem>>, vector<1x16xf32>,
          %swap3A_278 = vector.shape_cast %swap3A_277 : vector<1x16xf32> to vector<16xf32>
          %swap3A_279 = vector.shape_cast %max3A_274 : vector<16xf32> to vector<1x16xf32>
          tpu.vector_store %arg8[%swap3A_275, %swap3A_276], %swap3A_279 {strides = array<i32>} : memref<328x128xf32, #tpu.memory_space<vmem>>, vector<1x16xf32>,
          %get3A_280 = arith.index_cast %select_n3A_207 : i32 to index
          %get3A_281 = arith.constant 16 : index
          %get3A_282 = tpu.vector_load %arg8[%get3A_280, %get3A_281] {strides = array<i32>} : memref<328x128xf32, #tpu.memory_space<vmem>>, vector<1x16xf32>,
          %get3A_283 = vector.shape_cast %get3A_282 : vector<1x16xf32> to vector<16xf32>
          %max3A_284 = arith.maximumf %get3A_283, %scan3A_189 : vector<16xf32>
          %swap3A_285 = arith.index_cast %select_n3A_207 : i32 to index
          %swap3A_286 = arith.constant 16 : index
          %swap3A_287 = tpu.vector_load %arg8[%swap3A_285, %swap3A_286] {strides = array<i32>} : memref<328x128xf32, #tpu.memory_space<vmem>>, vector<1x16xf32>,
          %swap3A_288 = vector.shape_cast %swap3A_287 : vector<1x16xf32> to vector<16xf32>
          %swap3A_289 = vector.shape_cast %max3A_284 : vector<16xf32> to vector<1x16xf32>
          tpu.vector_store %arg8[%swap3A_285, %swap3A_286], %swap3A_289 {strides = array<i32>} : memref<328x128xf32, #tpu.memory_space<vmem>>, vector<1x16xf32>,
          %get3A_290 = arith.index_cast %select_n3A_207 : i32 to index
          %get3A_291 = arith.constant 32 : index
          %get3A_292 = tpu.vector_load %arg8[%get3A_290, %get3A_291] {strides = array<i32>} : memref<328x128xf32, #tpu.memory_space<vmem>>, vector<1x16xf32>,
          %get3A_293 = vector.shape_cast %get3A_292 : vector<1x16xf32> to vector<16xf32>
          %max3A_294 = arith.maximumf %get3A_293, %scan3A_190 : vector<16xf32>
          %swap3A_295 = arith.index_cast %select_n3A_207 : i32 to index
          %swap3A_296 = arith.constant 32 : index
          %swap3A_297 = tpu.vector_load %arg8[%swap3A_295, %swap3A_296] {strides = array<i32>} : memref<328x128xf32, #tpu.memory_space<vmem>>, vector<1x16xf32>,
          %swap3A_298 = vector.shape_cast %swap3A_297 : vector<1x16xf32> to vector<16xf32>
          %swap3A_299 = vector.shape_cast %max3A_294 : vector<16xf32> to vector<1x16xf32>
          tpu.vector_store %arg8[%swap3A_295, %swap3A_296], %swap3A_299 {strides = array<i32>} : memref<328x128xf32, #tpu.memory_space<vmem>>, vector<1x16xf32>,
          %get3A_300 = arith.index_cast %select_n3A_207 : i32 to index
          %get3A_301 = arith.constant 48 : index
          %get3A_302 = tpu.vector_load %arg8[%get3A_300, %get3A_301] {strides = array<i32>} : memref<328x128xf32, #tpu.memory_space<vmem>>, vector<1x16xf32>,
          %get3A_303 = vector.shape_cast %get3A_302 : vector<1x16xf32> to vector<16xf32>
          %max3A_304 = arith.maximumf %get3A_303, %scan3A_191 : vector<16xf32>
          %swap3A_305 = arith.index_cast %select_n3A_207 : i32 to index
          %swap3A_306 = arith.constant 48 : index
          %swap3A_307 = tpu.vector_load %arg8[%swap3A_305, %swap3A_306] {strides = array<i32>} : memref<328x128xf32, #tpu.memory_space<vmem>>, vector<1x16xf32>,
          %swap3A_308 = vector.shape_cast %swap3A_307 : vector<1x16xf32> to vector<16xf32>
          %swap3A_309 = vector.shape_cast %max3A_304 : vector<16xf32> to vector<1x16xf32>
          tpu.vector_store %arg8[%swap3A_305, %swap3A_306], %swap3A_309 {strides = array<i32>} : memref<328x128xf32, #tpu.memory_space<vmem>>, vector<1x16xf32>,
          %get3A_310 = arith.index_cast %select_n3A_207 : i32 to index
          %get3A_311 = arith.constant 64 : index
          %get3A_312 = tpu.vector_load %arg8[%get3A_310, %get3A_311] {strides = array<i32>} : memref<328x128xf32, #tpu.memory_space<vmem>>, vector<1x16xf32>,
          %get3A_313 = vector.shape_cast %get3A_312 : vector<1x16xf32> to vector<16xf32>
          %max3A_314 = arith.maximumf %get3A_313, %scan3A_192 : vector<16xf32>
          %swap3A_315 = arith.index_cast %select_n3A_207 : i32 to index
          %swap3A_316 = arith.constant 64 : index
          %swap3A_317 = tpu.vector_load %arg8[%swap3A_315, %swap3A_316] {strides = array<i32>} : memref<328x128xf32, #tpu.memory_space<vmem>>, vector<1x16xf32>,
          %swap3A_318 = vector.shape_cast %swap3A_317 : vector<1x16xf32> to vector<16xf32>
          %swap3A_319 = vector.shape_cast %max3A_314 : vector<16xf32> to vector<1x16xf32>
          tpu.vector_store %arg8[%swap3A_315, %swap3A_316], %swap3A_319 {strides = array<i32>} : memref<328x128xf32, #tpu.memory_space<vmem>>, vector<1x16xf32>,
          %get3A_320 = arith.index_cast %select_n3A_207 : i32 to index
          %get3A_321 = arith.constant 80 : index
          %get3A_322 = tpu.vector_load %arg8[%get3A_320, %get3A_321] {strides = array<i32>} : memref<328x128xf32, #tpu.memory_space<vmem>>, vector<1x16xf32>,
          %get3A_323 = vector.shape_cast %get3A_322 : vector<1x16xf32> to vector<16xf32>
          %max3A_324 = arith.maximumf %get3A_323, %scan3A_193 : vector<16xf32>
          %swap3A_325 = arith.index_cast %select_n3A_207 : i32 to index
          %swap3A_326 = arith.constant 80 : index
          %swap3A_327 = tpu.vector_load %arg8[%swap3A_325, %swap3A_326] {strides = array<i32>} : memref<328x128xf32, #tpu.memory_space<vmem>>, vector<1x16xf32>,
          %swap3A_328 = vector.shape_cast %swap3A_327 : vector<1x16xf32> to vector<16xf32>
          %swap3A_329 = vector.shape_cast %max3A_324 : vector<16xf32> to vector<1x16xf32>
          tpu.vector_store %arg8[%swap3A_325, %swap3A_326], %swap3A_329 {strides = array<i32>} : memref<328x128xf32, #tpu.memory_space<vmem>>, vector<1x16xf32>,
          %get3A_330 = arith.index_cast %select_n3A_207 : i32 to index
          %get3A_331 = arith.constant 96 : index
          %get3A_332 = tpu.vector_load %arg8[%get3A_330, %get3A_331] {strides = array<i32>} : memref<328x128xf32, #tpu.memory_space<vmem>>, vector<1x16xf32>,
          %get3A_333 = vector.shape_cast %get3A_332 : vector<1x16xf32> to vector<16xf32>
          %max3A_334 = arith.maximumf %get3A_333, %scan3A_194 : vector<16xf32>
          %swap3A_335 = arith.index_cast %select_n3A_207 : i32 to index
          %swap3A_336 = arith.constant 96 : index
          %swap3A_337 = tpu.vector_load %arg8[%swap3A_335, %swap3A_336] {strides = array<i32>} : memref<328x128xf32, #tpu.memory_space<vmem>>, vector<1x16xf32>,
          %swap3A_338 = vector.shape_cast %swap3A_337 : vector<1x16xf32> to vector<16xf32>
          %swap3A_339 = vector.shape_cast %max3A_334 : vector<16xf32> to vector<1x16xf32>
          tpu.vector_store %arg8[%swap3A_335, %swap3A_336], %swap3A_339 {strides = array<i32>} : memref<328x128xf32, #tpu.memory_space<vmem>>, vector<1x16xf32>,
          %get3A_340 = arith.index_cast %select_n3A_207 : i32 to index
          %get3A_341 = arith.constant 112 : index
          %get3A_342 = tpu.vector_load %arg8[%get3A_340, %get3A_341] {strides = array<i32>} : memref<328x128xf32, #tpu.memory_space<vmem>>, vector<1x16xf32>,
          %get3A_343 = vector.shape_cast %get3A_342 : vector<1x16xf32> to vector<16xf32>
          %max3A_344 = arith.maximumf %get3A_343, %scan3A_195 : vector<16xf32>
          %swap3A_345 = arith.index_cast %select_n3A_207 : i32 to index
          %swap3A_346 = arith.constant 112 : index
          %swap3A_347 = tpu.vector_load %arg8[%swap3A_345, %swap3A_346] {strides = array<i32>} : memref<328x128xf32, #tpu.memory_space<vmem>>, vector<1x16xf32>,
          %swap3A_348 = vector.shape_cast %swap3A_347 : vector<1x16xf32> to vector<16xf32>
          %swap3A_349 = vector.shape_cast %max3A_344 : vector<16xf32> to vector<1x16xf32>
          tpu.vector_store %arg8[%swap3A_345, %swap3A_346], %swap3A_349 {strides = array<i32>} : memref<328x128xf32, #tpu.memory_space<vmem>>, vector<1x16xf32>,
        } else {
        }
        %jit3A_211 = arith.constant 0xFF800000 : f32
        %jit3A_212 = arith.constant 0.000000e+00 : f32
        %select_n3A_213 = arith.select %ne3A_199, %jit3A_211, %jit3A_212 : f32
        %add3A_214 = vector.broadcast %select_n3A_213 : f32 to vector<16xf32>
        %add3A_215 = arith.addf %scan3A_188, %add3A_214 : vector<16xf32>
        %get3A_216 = arith.index_cast %scan3A_186 : i32 to index
        %get3A_217 = arith.constant 0 : index
        %get3A_218 = tpu.vector_load %arg7[%get3A_216, %get3A_217] {strides = array<i32>} : memref<256x128xf32, #tpu.memory_space<vmem>>, vector<1x16xf32>,
        %get3A_219 = vector.shape_cast %get3A_218 : vector<1x16xf32> to vector<16xf32>
        %max3A_220 = arith.maximumf %add3A_215, %get3A_219 : vector<16xf32>
        %add3A_221 = vector.broadcast %select_n3A_213 : f32 to vector<16xf32>
        %add3A_222 = arith.addf %scan3A_189, %add3A_221 : vector<16xf32>
        %get3A_223 = arith.index_cast %scan3A_186 : i32 to index
        %get3A_224 = arith.constant 16 : index
        %get3A_225 = tpu.vector_load %arg7[%get3A_223, %get3A_224] {strides = array<i32>} : memref<256x128xf32, #tpu.memory_space<vmem>>, vector<1x16xf32>,
        %get3A_226 = vector.shape_cast %get3A_225 : vector<1x16xf32> to vector<16xf32>
        %max3A_227 = arith.maximumf %add3A_222, %get3A_226 : vector<16xf32>
        %add3A_228 = vector.broadcast %select_n3A_213 : f32 to vector<16xf32>
        %add3A_229 = arith.addf %scan3A_190, %add3A_228 : vector<16xf32>
        %get3A_230 = arith.index_cast %scan3A_186 : i32 to index
        %get3A_231 = arith.constant 32 : index
        %get3A_232 = tpu.vector_load %arg7[%get3A_230, %get3A_231] {strides = array<i32>} : memref<256x128xf32, #tpu.memory_space<vmem>>, vector<1x16xf32>,
        %get3A_233 = vector.shape_cast %get3A_232 : vector<1x16xf32> to vector<16xf32>
        %max3A_234 = arith.maximumf %add3A_229, %get3A_233 : vector<16xf32>
        %add3A_235 = vector.broadcast %select_n3A_213 : f32 to vector<16xf32>
        %add3A_236 = arith.addf %scan3A_191, %add3A_235 : vector<16xf32>
        %get3A_237 = arith.index_cast %scan3A_186 : i32 to index
        %get3A_238 = arith.constant 48 : index
        %get3A_239 = tpu.vector_load %arg7[%get3A_237, %get3A_238] {strides = array<i32>} : memref<256x128xf32, #tpu.memory_space<vmem>>, vector<1x16xf32>,
        %get3A_240 = vector.shape_cast %get3A_239 : vector<1x16xf32> to vector<16xf32>
        %max3A_241 = arith.maximumf %add3A_236, %get3A_240 : vector<16xf32>
        %add3A_242 = vector.broadcast %select_n3A_213 : f32 to vector<16xf32>
        %add3A_243 = arith.addf %scan3A_192, %add3A_242 : vector<16xf32>
        %get3A_244 = arith.index_cast %scan3A_186 : i32 to index
        %get3A_245 = arith.constant 64 : index
        %get3A_246 = tpu.vector_load %arg7[%get3A_244, %get3A_245] {strides = array<i32>} : memref<256x128xf32, #tpu.memory_space<vmem>>, vector<1x16xf32>,
        %get3A_247 = vector.shape_cast %get3A_246 : vector<1x16xf32> to vector<16xf32>
        %max3A_248 = arith.maximumf %add3A_243, %get3A_247 : vector<16xf32>
        %add3A_249 = vector.broadcast %select_n3A_213 : f32 to vector<16xf32>
        %add3A_250 = arith.addf %scan3A_193, %add3A_249 : vector<16xf32>
        %get3A_251 = arith.index_cast %scan3A_186 : i32 to index
        %get3A_252 = arith.constant 80 : index
        %get3A_253 = tpu.vector_load %arg7[%get3A_251, %get3A_252] {strides = array<i32>} : memref<256x128xf32, #tpu.memory_space<vmem>>, vector<1x16xf32>,
        %get3A_254 = vector.shape_cast %get3A_253 : vector<1x16xf32> to vector<16xf32>
        %max3A_255 = arith.maximumf %add3A_250, %get3A_254 : vector<16xf32>
        %add3A_256 = vector.broadcast %select_n3A_213 : f32 to vector<16xf32>
        %add3A_257 = arith.addf %scan3A_194, %add3A_256 : vector<16xf32>
        %get3A_258 = arith.index_cast %scan3A_186 : i32 to index
        %get3A_259 = arith.constant 96 : index
        %get3A_260 = tpu.vector_load %arg7[%get3A_258, %get3A_259] {strides = array<i32>} : memref<256x128xf32, #tpu.memory_space<vmem>>, vector<1x16xf32>,
        %get3A_261 = vector.shape_cast %get3A_260 : vector<1x16xf32> to vector<16xf32>
        %max3A_262 = arith.maximumf %add3A_257, %get3A_261 : vector<16xf32>
        %add3A_263 = vector.broadcast %select_n3A_213 : f32 to vector<16xf32>
        %add3A_264 = arith.addf %scan3A_195, %add3A_263 : vector<16xf32>
        %get3A_265 = arith.index_cast %scan3A_186 : i32 to index
        %get3A_266 = arith.constant 112 : index
        %get3A_267 = tpu.vector_load %arg7[%get3A_265, %get3A_266] {strides = array<i32>} : memref<256x128xf32, #tpu.memory_space<vmem>>, vector<1x16xf32>,
        %get3A_268 = vector.shape_cast %get3A_267 : vector<1x16xf32> to vector<16xf32>
        %max3A_269 = arith.maximumf %add3A_264, %get3A_268 : vector<16xf32>
        scf.yield %squeeze3A, %max3A_220, %max3A_227, %max3A_234, %max3A_241, %max3A_248, %max3A_255, %max3A_262, %max3A_269 : i32, vector<16xf32>, vector<16xf32>, vector<16xf32>, vector<16xf32>, vector<16xf32>, vector<16xf32>, vector<16xf32>, vector<16xf32>
      }
      %scan3A_100 = arith.constant 256 : i32
      %ge3A = arith.cmpi sge, %scan3A_99#0, %mul3A_2 : i32
      %add3A_101 = arith.constant 320 : i32
      %add3A_102 = arith.addi %mul3A_2, %add3A_101 : i32
      %lt3A_103 = arith.cmpi slt, %scan3A_99#0, %add3A_102 : i32
      %and3A_104 = arith.andi %ge3A, %lt3A_103 : i1
      %sub3A_105 = arith.subi %scan3A_99#0, %mul3A_2 : i32
      %jit3A_106 = arith.constant 320 : i32
      %select_n3A_107 = arith.select %and3A_104, %sub3A_105, %jit3A_106 : i32
      %get3A = arith.index_cast %select_n3A_107 : i32 to index
      %get3A_108 = arith.constant 0 : index
      %get3A_109 = tpu.vector_load %arg8[%get3A, %get3A_108] {strides = array<i32>} : memref<328x128xf32, #tpu.memory_space<vmem>>, vector<1x16xf32>,
      %get3A_110 = vector.shape_cast %get3A_109 : vector<1x16xf32> to vector<16xf32>
      %max3A_111 = arith.maximumf %get3A_110, %scan3A_99#1 : vector<16xf32>
      %swap3A = arith.index_cast %select_n3A_107 : i32 to index
      %swap3A_112 = arith.constant 0 : index
      %swap3A_113 = tpu.vector_load %arg8[%swap3A, %swap3A_112] {strides = array<i32>} : memref<328x128xf32, #tpu.memory_space<vmem>>, vector<1x16xf32>,
      %swap3A_114 = vector.shape_cast %swap3A_113 : vector<1x16xf32> to vector<16xf32>
      %swap3A_115 = vector.shape_cast %max3A_111 : vector<16xf32> to vector<1x16xf32>
      tpu.vector_store %arg8[%swap3A, %swap3A_112], %swap3A_115 {strides = array<i32>} : memref<328x128xf32, #tpu.memory_space<vmem>>, vector<1x16xf32>,
      %get3A_116 = arith.index_cast %select_n3A_107 : i32 to index
      %get3A_117 = arith.constant 16 : index
      %get3A_118 = tpu.vector_load %arg8[%get3A_116, %get3A_117] {strides = array<i32>} : memref<328x128xf32, #tpu.memory_space<vmem>>, vector<1x16xf32>,
      %get3A_119 = vector.shape_cast %get3A_118 : vector<1x16xf32> to vector<16xf32>
      %max3A_120 = arith.maximumf %get3A_119, %scan3A_99#2 : vector<16xf32>
      %swap3A_121 = arith.index_cast %select_n3A_107 : i32 to index
      %swap3A_122 = arith.constant 16 : index
      %swap3A_123 = tpu.vector_load %arg8[%swap3A_121, %swap3A_122] {strides = array<i32>} : memref<328x128xf32, #tpu.memory_space<vmem>>, vector<1x16xf32>,
      %swap3A_124 = vector.shape_cast %swap3A_123 : vector<1x16xf32> to vector<16xf32>
      %swap3A_125 = vector.shape_cast %max3A_120 : vector<16xf32> to vector<1x16xf32>
      tpu.vector_store %arg8[%swap3A_121, %swap3A_122], %swap3A_125 {strides = array<i32>} : memref<328x128xf32, #tpu.memory_space<vmem>>, vector<1x16xf32>,
      %get3A_126 = arith.index_cast %select_n3A_107 : i32 to index
      %get3A_127 = arith.constant 32 : index
      %get3A_128 = tpu.vector_load %arg8[%get3A_126, %get3A_127] {strides = array<i32>} : memref<328x128xf32, #tpu.memory_space<vmem>>, vector<1x16xf32>,
      %get3A_129 = vector.shape_cast %get3A_128 : vector<1x16xf32> to vector<16xf32>
      %max3A_130 = arith.maximumf %get3A_129, %scan3A_99#3 : vector<16xf32>
      %swap3A_131 = arith.index_cast %select_n3A_107 : i32 to index
      %swap3A_132 = arith.constant 32 : index
      %swap3A_133 = tpu.vector_load %arg8[%swap3A_131, %swap3A_132] {strides = array<i32>} : memref<328x128xf32, #tpu.memory_space<vmem>>, vector<1x16xf32>,
      %swap3A_134 = vector.shape_cast %swap3A_133 : vector<1x16xf32> to vector<16xf32>
      %swap3A_135 = vector.shape_cast %max3A_130 : vector<16xf32> to vector<1x16xf32>
      tpu.vector_store %arg8[%swap3A_131, %swap3A_132], %swap3A_135 {strides = array<i32>} : memref<328x128xf32, #tpu.memory_space<vmem>>, vector<1x16xf32>,
      %get3A_136 = arith.index_cast %select_n3A_107 : i32 to index
      %get3A_137 = arith.constant 48 : index
      %get3A_138 = tpu.vector_load %arg8[%get3A_136, %get3A_137] {strides = array<i32>} : memref<328x128xf32, #tpu.memory_space<vmem>>, vector<1x16xf32>,
      %get3A_139 = vector.shape_cast %get3A_138 : vector<1x16xf32> to vector<16xf32>
      %max3A_140 = arith.maximumf %get3A_139, %scan3A_99#4 : vector<16xf32>
      %swap3A_141 = arith.index_cast %select_n3A_107 : i32 to index
      %swap3A_142 = arith.constant 48 : index
      %swap3A_143 = tpu.vector_load %arg8[%swap3A_141, %swap3A_142] {strides = array<i32>} : memref<328x128xf32, #tpu.memory_space<vmem>>, vector<1x16xf32>,
      %swap3A_144 = vector.shape_cast %swap3A_143 : vector<1x16xf32> to vector<16xf32>
      %swap3A_145 = vector.shape_cast %max3A_140 : vector<16xf32> to vector<1x16xf32>
      tpu.vector_store %arg8[%swap3A_141, %swap3A_142], %swap3A_145 {strides = array<i32>} : memref<328x128xf32, #tpu.memory_space<vmem>>, vector<1x16xf32>,
      %get3A_146 = arith.index_cast %select_n3A_107 : i32 to index
      %get3A_147 = arith.constant 64 : index
      %get3A_148 = tpu.vector_load %arg8[%get3A_146, %get3A_147] {strides = array<i32>} : memref<328x128xf32, #tpu.memory_space<vmem>>, vector<1x16xf32>,
      %get3A_149 = vector.shape_cast %get3A_148 : vector<1x16xf32> to vector<16xf32>
      %max3A_150 = arith.maximumf %get3A_149, %scan3A_99#5 : vector<16xf32>
      %swap3A_151 = arith.index_cast %select_n3A_107 : i32 to index
      %swap3A_152 = arith.constant 64 : index
      %swap3A_153 = tpu.vector_load %arg8[%swap3A_151, %swap3A_152] {strides = array<i32>} : memref<328x128xf32, #tpu.memory_space<vmem>>, vector<1x16xf32>,
      %swap3A_154 = vector.shape_cast %swap3A_153 : vector<1x16xf32> to vector<16xf32>
      %swap3A_155 = vector.shape_cast %max3A_150 : vector<16xf32> to vector<1x16xf32>
      tpu.vector_store %arg8[%swap3A_151, %swap3A_152], %swap3A_155 {strides = array<i32>} : memref<328x128xf32, #tpu.memory_space<vmem>>, vector<1x16xf32>,
      %get3A_156 = arith.index_cast %select_n3A_107 : i32 to index
      %get3A_157 = arith.constant 80 : index
      %get3A_158 = tpu.vector_load %arg8[%get3A_156, %get3A_157] {strides = array<i32>} : memref<328x128xf32, #tpu.memory_space<vmem>>, vector<1x16xf32>,
      %get3A_159 = vector.shape_cast %get3A_158 : vector<1x16xf32> to vector<16xf32>
      %max3A_160 = arith.maximumf %get3A_159, %scan3A_99#6 : vector<16xf32>
      %swap3A_161 = arith.index_cast %select_n3A_107 : i32 to index
      %swap3A_162 = arith.constant 80 : index
      %swap3A_163 = tpu.vector_load %arg8[%swap3A_161, %swap3A_162] {strides = array<i32>} : memref<328x128xf32, #tpu.memory_space<vmem>>, vector<1x16xf32>,
      %swap3A_164 = vector.shape_cast %swap3A_163 : vector<1x16xf32> to vector<16xf32>
      %swap3A_165 = vector.shape_cast %max3A_160 : vector<16xf32> to vector<1x16xf32>
      tpu.vector_store %arg8[%swap3A_161, %swap3A_162], %swap3A_165 {strides = array<i32>} : memref<328x128xf32, #tpu.memory_space<vmem>>, vector<1x16xf32>,
      %get3A_166 = arith.index_cast %select_n3A_107 : i32 to index
      %get3A_167 = arith.constant 96 : index
      %get3A_168 = tpu.vector_load %arg8[%get3A_166, %get3A_167] {strides = array<i32>} : memref<328x128xf32, #tpu.memory_space<vmem>>, vector<1x16xf32>,
      %get3A_169 = vector.shape_cast %get3A_168 : vector<1x16xf32> to vector<16xf32>
      %max3A_170 = arith.maximumf %get3A_169, %scan3A_99#7 : vector<16xf32>
      %swap3A_171 = arith.index_cast %select_n3A_107 : i32 to index
      %swap3A_172 = arith.constant 96 : index
      %swap3A_173 = tpu.vector_load %arg8[%swap3A_171, %swap3A_172] {strides = array<i32>} : memref<328x128xf32, #tpu.memory_space<vmem>>, vector<1x16xf32>,
      %swap3A_174 = vector.shape_cast %swap3A_173 : vector<1x16xf32> to vector<16xf32>
      %swap3A_175 = vector.shape_cast %max3A_170 : vector<16xf32> to vector<1x16xf32>
      tpu.vector_store %arg8[%swap3A_171, %swap3A_172], %swap3A_175 {strides = array<i32>} : memref<328x128xf32, #tpu.memory_space<vmem>>, vector<1x16xf32>,
      %get3A_176 = arith.index_cast %select_n3A_107 : i32 to index
      %get3A_177 = arith.constant 112 : index
      %get3A_178 = tpu.vector_load %arg8[%get3A_176, %get3A_177] {strides = array<i32>} : memref<328x128xf32, #tpu.memory_space<vmem>>, vector<1x16xf32>,
      %get3A_179 = vector.shape_cast %get3A_178 : vector<1x16xf32> to vector<16xf32>
      %max3A_180 = arith.maximumf %get3A_179, %scan3A_99#8 : vector<16xf32>
      %swap3A_181 = arith.index_cast %select_n3A_107 : i32 to index
      %swap3A_182 = arith.constant 112 : index
      %swap3A_183 = tpu.vector_load %arg8[%swap3A_181, %swap3A_182] {strides = array<i32>} : memref<328x128xf32, #tpu.memory_space<vmem>>, vector<1x16xf32>,
      %swap3A_184 = vector.shape_cast %swap3A_183 : vector<1x16xf32> to vector<16xf32>
      %swap3A_185 = vector.shape_cast %max3A_180 : vector<16xf32> to vector<1x16xf32>
      tpu.vector_store %arg8[%swap3A_181, %swap3A_182], %swap3A_185 {strides = array<i32>} : memref<328x128xf32, #tpu.memory_space<vmem>>, vector<1x16xf32>,
    }
    %while3A_81 = arith.constant 1 : i32
    scf.for %while3A_90 = %while3A_79 to %while3A_75 step %while3A_81  : i32 {
      %mul3A_91 = arith.constant 256 : i32
      %mul3A_92 = arith.muli %while3A_90, %mul3A_91 : i32
      %multiple_of3A_93 = tpu.assume_multiple %mul3A_92, 8 : i32
      "tpu.region"() ({
        %run_scoped3A = tpu.sem_alloc : memref<!tpu.dma_semaphore, #tpu.memory_space<semaphore_mem>>
        %dma_start3A = arith.constant 0 : i32
        %dma_start3A_186 = tpu.memref_slice %arg6[%dma_start3A] : memref<272xi32, #tpu.memory_space<vmem>> -> memref<256xi32, #tpu.memory_space<vmem>>
        %dma_start3A_187 = tpu.memref_slice %arg2[%multiple_of3A_93] : memref<320000xi32, #tpu.memory_space<hbm>> -> memref<256xi32, #tpu.memory_space<hbm>>
        %dma_start3A_188 = arith.constant 0 : i32
        %dma_start3A_189 = tpu.memref_slice %arg6[%dma_start3A_188] : memref<272xi32, #tpu.memory_space<vmem>> -> memref<256xi32, #tpu.memory_space<vmem>>
        %dma_start3A_190 = tpu.memref_slice %arg2[%multiple_of3A_93] : memref<320000xi32, #tpu.memory_space<hbm>> -> memref<256xi32, #tpu.memory_space<hbm>>
        tpu.enqueue_dma source(%dma_start3A_190 : memref<256xi32, #tpu.memory_space<hbm>>) target(%dma_start3A_189 : memref<256xi32, #tpu.memory_space<vmem>>) target_semaphore(%run_scoped3A : memref<!tpu.dma_semaphore, #tpu.memory_space<semaphore_mem>>)
        %dma_wait3A = arith.constant 0 : i32
        %dma_wait3A_191 = tpu.memref_slice %arg6[%dma_wait3A] : memref<272xi32, #tpu.memory_space<vmem>> -> memref<256xi32, #tpu.memory_space<vmem>>
        %dma_wait3A_192 = tpu.memref_slice %arg2[%multiple_of3A_93] : memref<320000xi32, #tpu.memory_space<hbm>> -> memref<256xi32, #tpu.memory_space<hbm>>
        %dma_wait3A_193 = arith.constant 0 : i32
        %dma_wait3A_194 = tpu.memref_slice %arg6[%dma_wait3A_193] : memref<272xi32, #tpu.memory_space<vmem>> -> memref<256xi32, #tpu.memory_space<vmem>>
        %dma_wait3A_195 = tpu.memref_slice %arg2[%multiple_of3A_93] : memref<320000xi32, #tpu.memory_space<hbm>> -> memref<256xi32, #tpu.memory_space<hbm>>
        tpu.wait_dma2 semaphore(%run_scoped3A : memref<!tpu.dma_semaphore, #tpu.memory_space<semaphore_mem>>) src(%dma_wait3A_195 : memref<256xi32, #tpu.memory_space<hbm>>) dst(%dma_wait3A_194 : memref<256xi32, #tpu.memory_space<vmem>>)
        tpu.yield
      }) : () -> ()
      "tpu.region"() ({
        %run_scoped3A = tpu.sem_alloc : memref<!tpu.dma_semaphore, #tpu.memory_space<semaphore_mem>>
        %dma_start3A = arith.constant 0 : i32
        %dma_start3A_186 = tpu.memref_slice %arg3[%multiple_of3A_93, %dma_start3A] : memref<320000x128xf32, #tpu.memory_space<hbm>> -> memref<256x128xf32, #tpu.memory_space<hbm>>
        %dma_start3A_187 = arith.constant 0 : i32
        %dma_start3A_188 = tpu.memref_slice %arg3[%multiple_of3A_93, %dma_start3A_187] : memref<320000x128xf32, #tpu.memory_space<hbm>> -> memref<256x128xf32, #tpu.memory_space<hbm>>
        tpu.enqueue_dma source(%dma_start3A_188 : memref<256x128xf32, #tpu.memory_space<hbm>>) target(%arg7 : memref<256x128xf32, #tpu.memory_space<vmem>>) target_semaphore(%run_scoped3A : memref<!tpu.dma_semaphore, #tpu.memory_space<semaphore_mem>>)
        %dma_wait3A = arith.constant 0 : i32
        %dma_wait3A_189 = tpu.memref_slice %arg3[%multiple_of3A_93, %dma_wait3A] : memref<320000x128xf32, #tpu.memory_space<hbm>> -> memref<256x128xf32, #tpu.memory_space<hbm>>
        %dma_wait3A_190 = arith.constant 0 : i32
        %dma_wait3A_191 = tpu.memref_slice %arg3[%multiple_of3A_93, %dma_wait3A_190] : memref<320000x128xf32, #tpu.memory_space<hbm>> -> memref<256x128xf32, #tpu.memory_space<hbm>>
        tpu.wait_dma2 semaphore(%run_scoped3A : memref<!tpu.dma_semaphore, #tpu.memory_space<semaphore_mem>>) src(%dma_wait3A_191 : memref<256x128xf32, #tpu.memory_space<hbm>>) dst(%arg7 : memref<256x128xf32, #tpu.memory_space<vmem>>)
        tpu.yield
      }) : () -> ()
      %scan3A_94 = arith.constant -1 : i32
      %scan3A_95 = arith.constant 0 : i32
      %scan3A_96 = arith.constant 256 : i32
      %scan3A_97 = arith.addi %scan3A_95, %scan3A_96 : i32
      %scan3A_98 = arith.constant 1 : i32
      %scan3A_99:9 = scf.for %scan3A_186 = %scan3A_95 to %scan3A_97 step %scan3A_98 iter_args(%scan3A_187 = %scan3A_94, %scan3A_188 = %broadcast_in_dim3A_23, %scan3A_189 = %broadcast_in_dim3A_23, %scan3A_190 = %broadcast_in_dim3A_23, %scan3A_191 = %broadcast_in_dim3A_23, %scan3A_192 = %broadcast_in_dim3A_23, %scan3A_193 = %broadcast_in_dim3A_23, %scan3A_194 = %broadcast_in_dim3A_23, %scan3A_195 = %broadcast_in_dim3A_23) -> (i32, vector<16xf32>, vector<16xf32>, vector<16xf32>, vector<16xf32>, vector<16xf32>, vector<16xf32>, vector<16xf32>, vector<16xf32>)  : i32 {
        %get3A_196 = arith.index_cast %scan3A_186 : i32 to index
        %get3A_197 = tpu.vector_load %arg6[%get3A_196] {strides = array<i32>} : memref<272xi32, #tpu.memory_space<vmem>>, vector<16xi32>,
        %get3A_198 = vector.shape_cast %get3A_197 : vector<16xi32> to vector<16xi32>
        %slice3A = vector.extract_strided_slice %get3A_198 {offsets = [0], sizes = [1], strides = [1]} : vector<16xi32> to vector<1xi32>
        %squeeze3A = vector.extract %slice3A[0] : i32 from vector<1xi32>
        %ne3A_199 = arith.cmpi ne, %squeeze3A, %scan3A_187 : i32
        %ge3A_200 = arith.cmpi sge, %scan3A_187, %mul3A_2 : i32
        %add3A_201 = arith.constant 320 : i32
        %add3A_202 = arith.addi %mul3A_2, %add3A_201 : i32
        %lt3A_203 = arith.cmpi slt, %scan3A_187, %add3A_202 : i32
        %and3A_204 = arith.andi %ge3A_200, %lt3A_203 : i1
        %sub3A_205 = arith.subi %scan3A_187, %mul3A_2 : i32
        %jit3A_206 = arith.constant 320 : i32
        %select_n3A_207 = arith.select %and3A_204, %sub3A_205, %jit3A_206 : i32
        %convert_element_type3A_208 = arith.extui %ne3A_199 : i1 to i32
        %cond3A_209 = arith.constant 0 : i32
        %cond3A_210 = arith.cmpi ne, %convert_element_type3A_208, %cond3A_209 : i32
        scf.if %cond3A_210 {
          %get3A_270 = arith.index_cast %select_n3A_207 : i32 to index
          %get3A_271 = arith.constant 0 : index
          %get3A_272 = tpu.vector_load %arg8[%get3A_270, %get3A_271] {strides = array<i32>} : memref<328x128xf32, #tpu.memory_space<vmem>>, vector<1x16xf32>,
          %get3A_273 = vector.shape_cast %get3A_272 : vector<1x16xf32> to vector<16xf32>
          %max3A_274 = arith.maximumf %get3A_273, %scan3A_188 : vector<16xf32>
          %swap3A_275 = arith.index_cast %select_n3A_207 : i32 to index
          %swap3A_276 = arith.constant 0 : index
          %swap3A_277 = tpu.vector_load %arg8[%swap3A_275, %swap3A_276] {strides = array<i32>} : memref<328x128xf32, #tpu.memory_space<vmem>>, vector<1x16xf32>,
          %swap3A_278 = vector.shape_cast %swap3A_277 : vector<1x16xf32> to vector<16xf32>
          %swap3A_279 = vector.shape_cast %max3A_274 : vector<16xf32> to vector<1x16xf32>
          tpu.vector_store %arg8[%swap3A_275, %swap3A_276], %swap3A_279 {strides = array<i32>} : memref<328x128xf32, #tpu.memory_space<vmem>>, vector<1x16xf32>,
          %get3A_280 = arith.index_cast %select_n3A_207 : i32 to index
          %get3A_281 = arith.constant 16 : index
          %get3A_282 = tpu.vector_load %arg8[%get3A_280, %get3A_281] {strides = array<i32>} : memref<328x128xf32, #tpu.memory_space<vmem>>, vector<1x16xf32>,
          %get3A_283 = vector.shape_cast %get3A_282 : vector<1x16xf32> to vector<16xf32>
          %max3A_284 = arith.maximumf %get3A_283, %scan3A_189 : vector<16xf32>
          %swap3A_285 = arith.index_cast %select_n3A_207 : i32 to index
          %swap3A_286 = arith.constant 16 : index
          %swap3A_287 = tpu.vector_load %arg8[%swap3A_285, %swap3A_286] {strides = array<i32>} : memref<328x128xf32, #tpu.memory_space<vmem>>, vector<1x16xf32>,
          %swap3A_288 = vector.shape_cast %swap3A_287 : vector<1x16xf32> to vector<16xf32>
          %swap3A_289 = vector.shape_cast %max3A_284 : vector<16xf32> to vector<1x16xf32>
          tpu.vector_store %arg8[%swap3A_285, %swap3A_286], %swap3A_289 {strides = array<i32>} : memref<328x128xf32, #tpu.memory_space<vmem>>, vector<1x16xf32>,
          %get3A_290 = arith.index_cast %select_n3A_207 : i32 to index
          %get3A_291 = arith.constant 32 : index
          %get3A_292 = tpu.vector_load %arg8[%get3A_290, %get3A_291] {strides = array<i32>} : memref<328x128xf32, #tpu.memory_space<vmem>>, vector<1x16xf32>,
          %get3A_293 = vector.shape_cast %get3A_292 : vector<1x16xf32> to vector<16xf32>
          %max3A_294 = arith.maximumf %get3A_293, %scan3A_190 : vector<16xf32>
          %swap3A_295 = arith.index_cast %select_n3A_207 : i32 to index
          %swap3A_296 = arith.constant 32 : index
          %swap3A_297 = tpu.vector_load %arg8[%swap3A_295, %swap3A_296] {strides = array<i32>} : memref<328x128xf32, #tpu.memory_space<vmem>>, vector<1x16xf32>,
          %swap3A_298 = vector.shape_cast %swap3A_297 : vector<1x16xf32> to vector<16xf32>
          %swap3A_299 = vector.shape_cast %max3A_294 : vector<16xf32> to vector<1x16xf32>
          tpu.vector_store %arg8[%swap3A_295, %swap3A_296], %swap3A_299 {strides = array<i32>} : memref<328x128xf32, #tpu.memory_space<vmem>>, vector<1x16xf32>,
          %get3A_300 = arith.index_cast %select_n3A_207 : i32 to index
          %get3A_301 = arith.constant 48 : index
          %get3A_302 = tpu.vector_load %arg8[%get3A_300, %get3A_301] {strides = array<i32>} : memref<328x128xf32, #tpu.memory_space<vmem>>, vector<1x16xf32>,
          %get3A_303 = vector.shape_cast %get3A_302 : vector<1x16xf32> to vector<16xf32>
          %max3A_304 = arith.maximumf %get3A_303, %scan3A_191 : vector<16xf32>
          %swap3A_305 = arith.index_cast %select_n3A_207 : i32 to index
          %swap3A_306 = arith.constant 48 : index
          %swap3A_307 = tpu.vector_load %arg8[%swap3A_305, %swap3A_306] {strides = array<i32>} : memref<328x128xf32, #tpu.memory_space<vmem>>, vector<1x16xf32>,
          %swap3A_308 = vector.shape_cast %swap3A_307 : vector<1x16xf32> to vector<16xf32>
          %swap3A_309 = vector.shape_cast %max3A_304 : vector<16xf32> to vector<1x16xf32>
          tpu.vector_store %arg8[%swap3A_305, %swap3A_306], %swap3A_309 {strides = array<i32>} : memref<328x128xf32, #tpu.memory_space<vmem>>, vector<1x16xf32>,
          %get3A_310 = arith.index_cast %select_n3A_207 : i32 to index
          %get3A_311 = arith.constant 64 : index
          %get3A_312 = tpu.vector_load %arg8[%get3A_310, %get3A_311] {strides = array<i32>} : memref<328x128xf32, #tpu.memory_space<vmem>>, vector<1x16xf32>,
          %get3A_313 = vector.shape_cast %get3A_312 : vector<1x16xf32> to vector<16xf32>
          %max3A_314 = arith.maximumf %get3A_313, %scan3A_192 : vector<16xf32>
          %swap3A_315 = arith.index_cast %select_n3A_207 : i32 to index
          %swap3A_316 = arith.constant 64 : index
          %swap3A_317 = tpu.vector_load %arg8[%swap3A_315, %swap3A_316] {strides = array<i32>} : memref<328x128xf32, #tpu.memory_space<vmem>>, vector<1x16xf32>,
          %swap3A_318 = vector.shape_cast %swap3A_317 : vector<1x16xf32> to vector<16xf32>
          %swap3A_319 = vector.shape_cast %max3A_314 : vector<16xf32> to vector<1x16xf32>
          tpu.vector_store %arg8[%swap3A_315, %swap3A_316], %swap3A_319 {strides = array<i32>} : memref<328x128xf32, #tpu.memory_space<vmem>>, vector<1x16xf32>,
          %get3A_320 = arith.index_cast %select_n3A_207 : i32 to index
          %get3A_321 = arith.constant 80 : index
          %get3A_322 = tpu.vector_load %arg8[%get3A_320, %get3A_321] {strides = array<i32>} : memref<328x128xf32, #tpu.memory_space<vmem>>, vector<1x16xf32>,
          %get3A_323 = vector.shape_cast %get3A_322 : vector<1x16xf32> to vector<16xf32>
          %max3A_324 = arith.maximumf %get3A_323, %scan3A_193 : vector<16xf32>
          %swap3A_325 = arith.index_cast %select_n3A_207 : i32 to index
          %swap3A_326 = arith.constant 80 : index
          %swap3A_327 = tpu.vector_load %arg8[%swap3A_325, %swap3A_326] {strides = array<i32>} : memref<328x128xf32, #tpu.memory_space<vmem>>, vector<1x16xf32>,
          %swap3A_328 = vector.shape_cast %swap3A_327 : vector<1x16xf32> to vector<16xf32>
          %swap3A_329 = vector.shape_cast %max3A_324 : vector<16xf32> to vector<1x16xf32>
          tpu.vector_store %arg8[%swap3A_325, %swap3A_326], %swap3A_329 {strides = array<i32>} : memref<328x128xf32, #tpu.memory_space<vmem>>, vector<1x16xf32>,
          %get3A_330 = arith.index_cast %select_n3A_207 : i32 to index
          %get3A_331 = arith.constant 96 : index
          %get3A_332 = tpu.vector_load %arg8[%get3A_330, %get3A_331] {strides = array<i32>} : memref<328x128xf32, #tpu.memory_space<vmem>>, vector<1x16xf32>,
          %get3A_333 = vector.shape_cast %get3A_332 : vector<1x16xf32> to vector<16xf32>
          %max3A_334 = arith.maximumf %get3A_333, %scan3A_194 : vector<16xf32>
          %swap3A_335 = arith.index_cast %select_n3A_207 : i32 to index
          %swap3A_336 = arith.constant 96 : index
          %swap3A_337 = tpu.vector_load %arg8[%swap3A_335, %swap3A_336] {strides = array<i32>} : memref<328x128xf32, #tpu.memory_space<vmem>>, vector<1x16xf32>,
          %swap3A_338 = vector.shape_cast %swap3A_337 : vector<1x16xf32> to vector<16xf32>
          %swap3A_339 = vector.shape_cast %max3A_334 : vector<16xf32> to vector<1x16xf32>
          tpu.vector_store %arg8[%swap3A_335, %swap3A_336], %swap3A_339 {strides = array<i32>} : memref<328x128xf32, #tpu.memory_space<vmem>>, vector<1x16xf32>,
          %get3A_340 = arith.index_cast %select_n3A_207 : i32 to index
          %get3A_341 = arith.constant 112 : index
          %get3A_342 = tpu.vector_load %arg8[%get3A_340, %get3A_341] {strides = array<i32>} : memref<328x128xf32, #tpu.memory_space<vmem>>, vector<1x16xf32>,
          %get3A_343 = vector.shape_cast %get3A_342 : vector<1x16xf32> to vector<16xf32>
          %max3A_344 = arith.maximumf %get3A_343, %scan3A_195 : vector<16xf32>
          %swap3A_345 = arith.index_cast %select_n3A_207 : i32 to index
          %swap3A_346 = arith.constant 112 : index
          %swap3A_347 = tpu.vector_load %arg8[%swap3A_345, %swap3A_346] {strides = array<i32>} : memref<328x128xf32, #tpu.memory_space<vmem>>, vector<1x16xf32>,
          %swap3A_348 = vector.shape_cast %swap3A_347 : vector<1x16xf32> to vector<16xf32>
          %swap3A_349 = vector.shape_cast %max3A_344 : vector<16xf32> to vector<1x16xf32>
          tpu.vector_store %arg8[%swap3A_345, %swap3A_346], %swap3A_349 {strides = array<i32>} : memref<328x128xf32, #tpu.memory_space<vmem>>, vector<1x16xf32>,
        } else {
        }
        %jit3A_211 = arith.constant 0xFF800000 : f32
        %jit3A_212 = arith.constant 0.000000e+00 : f32
        %select_n3A_213 = arith.select %ne3A_199, %jit3A_211, %jit3A_212 : f32
        %add3A_214 = vector.broadcast %select_n3A_213 : f32 to vector<16xf32>
        %add3A_215 = arith.addf %scan3A_188, %add3A_214 : vector<16xf32>
        %get3A_216 = arith.index_cast %scan3A_186 : i32 to index
        %get3A_217 = arith.constant 0 : index
        %get3A_218 = tpu.vector_load %arg7[%get3A_216, %get3A_217] {strides = array<i32>} : memref<256x128xf32, #tpu.memory_space<vmem>>, vector<1x16xf32>,
        %get3A_219 = vector.shape_cast %get3A_218 : vector<1x16xf32> to vector<16xf32>
        %max3A_220 = arith.maximumf %add3A_215, %get3A_219 : vector<16xf32>
        %add3A_221 = vector.broadcast %select_n3A_213 : f32 to vector<16xf32>
        %add3A_222 = arith.addf %scan3A_189, %add3A_221 : vector<16xf32>
        %get3A_223 = arith.index_cast %scan3A_186 : i32 to index
        %get3A_224 = arith.constant 16 : index
        %get3A_225 = tpu.vector_load %arg7[%get3A_223, %get3A_224] {strides = array<i32>} : memref<256x128xf32, #tpu.memory_space<vmem>>, vector<1x16xf32>,
        %get3A_226 = vector.shape_cast %get3A_225 : vector<1x16xf32> to vector<16xf32>
        %max3A_227 = arith.maximumf %add3A_222, %get3A_226 : vector<16xf32>
        %add3A_228 = vector.broadcast %select_n3A_213 : f32 to vector<16xf32>
        %add3A_229 = arith.addf %scan3A_190, %add3A_228 : vector<16xf32>
        %get3A_230 = arith.index_cast %scan3A_186 : i32 to index
        %get3A_231 = arith.constant 32 : index
        %get3A_232 = tpu.vector_load %arg7[%get3A_230, %get3A_231] {strides = array<i32>} : memref<256x128xf32, #tpu.memory_space<vmem>>, vector<1x16xf32>,
        %get3A_233 = vector.shape_cast %get3A_232 : vector<1x16xf32> to vector<16xf32>
        %max3A_234 = arith.maximumf %add3A_229, %get3A_233 : vector<16xf32>
        %add3A_235 = vector.broadcast %select_n3A_213 : f32 to vector<16xf32>
        %add3A_236 = arith.addf %scan3A_191, %add3A_235 : vector<16xf32>
        %get3A_237 = arith.index_cast %scan3A_186 : i32 to index
        %get3A_238 = arith.constant 48 : index
        %get3A_239 = tpu.vector_load %arg7[%get3A_237, %get3A_238] {strides = array<i32>} : memref<256x128xf32, #tpu.memory_space<vmem>>, vector<1x16xf32>,
        %get3A_240 = vector.shape_cast %get3A_239 : vector<1x16xf32> to vector<16xf32>
        %max3A_241 = arith.maximumf %add3A_236, %get3A_240 : vector<16xf32>
        %add3A_242 = vector.broadcast %select_n3A_213 : f32 to vector<16xf32>
        %add3A_243 = arith.addf %scan3A_192, %add3A_242 : vector<16xf32>
        %get3A_244 = arith.index_cast %scan3A_186 : i32 to index
        %get3A_245 = arith.constant 64 : index
        %get3A_246 = tpu.vector_load %arg7[%get3A_244, %get3A_245] {strides = array<i32>} : memref<256x128xf32, #tpu.memory_space<vmem>>, vector<1x16xf32>,
        %get3A_247 = vector.shape_cast %get3A_246 : vector<1x16xf32> to vector<16xf32>
        %max3A_248 = arith.maximumf %add3A_243, %get3A_247 : vector<16xf32>
        %add3A_249 = vector.broadcast %select_n3A_213 : f32 to vector<16xf32>
        %add3A_250 = arith.addf %scan3A_193, %add3A_249 : vector<16xf32>
        %get3A_251 = arith.index_cast %scan3A_186 : i32 to index
        %get3A_252 = arith.constant 80 : index
        %get3A_253 = tpu.vector_load %arg7[%get3A_251, %get3A_252] {strides = array<i32>} : memref<256x128xf32, #tpu.memory_space<vmem>>, vector<1x16xf32>,
        %get3A_254 = vector.shape_cast %get3A_253 : vector<1x16xf32> to vector<16xf32>
        %max3A_255 = arith.maximumf %add3A_250, %get3A_254 : vector<16xf32>
        %add3A_256 = vector.broadcast %select_n3A_213 : f32 to vector<16xf32>
        %add3A_257 = arith.addf %scan3A_194, %add3A_256 : vector<16xf32>
        %get3A_258 = arith.index_cast %scan3A_186 : i32 to index
        %get3A_259 = arith.constant 96 : index
        %get3A_260 = tpu.vector_load %arg7[%get3A_258, %get3A_259] {strides = array<i32>} : memref<256x128xf32, #tpu.memory_space<vmem>>, vector<1x16xf32>,
        %get3A_261 = vector.shape_cast %get3A_260 : vector<1x16xf32> to vector<16xf32>
        %max3A_262 = arith.maximumf %add3A_257, %get3A_261 : vector<16xf32>
        %add3A_263 = vector.broadcast %select_n3A_213 : f32 to vector<16xf32>
        %add3A_264 = arith.addf %scan3A_195, %add3A_263 : vector<16xf32>
        %get3A_265 = arith.index_cast %scan3A_186 : i32 to index
        %get3A_266 = arith.constant 112 : index
        %get3A_267 = tpu.vector_load %arg7[%get3A_265, %get3A_266] {strides = array<i32>} : memref<256x128xf32, #tpu.memory_space<vmem>>, vector<1x16xf32>,
        %get3A_268 = vector.shape_cast %get3A_267 : vector<1x16xf32> to vector<16xf32>
        %max3A_269 = arith.maximumf %add3A_264, %get3A_268 : vector<16xf32>
        scf.yield %squeeze3A, %max3A_220, %max3A_227, %max3A_234, %max3A_241, %max3A_248, %max3A_255, %max3A_262, %max3A_269 : i32, vector<16xf32>, vector<16xf32>, vector<16xf32>, vector<16xf32>, vector<16xf32>, vector<16xf32>, vector<16xf32>, vector<16xf32>
      }
      %scan3A_100 = arith.constant 256 : i32
      %ge3A = arith.cmpi sge, %scan3A_99#0, %mul3A_2 : i32
      %add3A_101 = arith.constant 320 : i32
      %add3A_102 = arith.addi %mul3A_2, %add3A_101 : i32
      %lt3A_103 = arith.cmpi slt, %scan3A_99#0, %add3A_102 : i32
      %and3A_104 = arith.andi %ge3A, %lt3A_103 : i1
      %sub3A_105 = arith.subi %scan3A_99#0, %mul3A_2 : i32
      %jit3A_106 = arith.constant 320 : i32
      %select_n3A_107 = arith.select %and3A_104, %sub3A_105, %jit3A_106 : i32
      %get3A = arith.index_cast %select_n3A_107 : i32 to index
      %get3A_108 = arith.constant 0 : index
      %get3A_109 = tpu.vector_load %arg8[%get3A, %get3A_108] {strides = array<i32>} : memref<328x128xf32, #tpu.memory_space<vmem>>, vector<1x16xf32>,
      %get3A_110 = vector.shape_cast %get3A_109 : vector<1x16xf32> to vector<16xf32>
      %max3A_111 = arith.maximumf %get3A_110, %scan3A_99#1 : vector<16xf32>
      %swap3A = arith.index_cast %select_n3A_107 : i32 to index
      %swap3A_112 = arith.constant 0 : index
      %swap3A_113 = tpu.vector_load %arg8[%swap3A, %swap3A_112] {strides = array<i32>} : memref<328x128xf32, #tpu.memory_space<vmem>>, vector<1x16xf32>,
      %swap3A_114 = vector.shape_cast %swap3A_113 : vector<1x16xf32> to vector<16xf32>
      %swap3A_115 = vector.shape_cast %max3A_111 : vector<16xf32> to vector<1x16xf32>
      tpu.vector_store %arg8[%swap3A, %swap3A_112], %swap3A_115 {strides = array<i32>} : memref<328x128xf32, #tpu.memory_space<vmem>>, vector<1x16xf32>,
      %get3A_116 = arith.index_cast %select_n3A_107 : i32 to index
      %get3A_117 = arith.constant 16 : index
      %get3A_118 = tpu.vector_load %arg8[%get3A_116, %get3A_117] {strides = array<i32>} : memref<328x128xf32, #tpu.memory_space<vmem>>, vector<1x16xf32>,
      %get3A_119 = vector.shape_cast %get3A_118 : vector<1x16xf32> to vector<16xf32>
      %max3A_120 = arith.maximumf %get3A_119, %scan3A_99#2 : vector<16xf32>
      %swap3A_121 = arith.index_cast %select_n3A_107 : i32 to index
      %swap3A_122 = arith.constant 16 : index
      %swap3A_123 = tpu.vector_load %arg8[%swap3A_121, %swap3A_122] {strides = array<i32>} : memref<328x128xf32, #tpu.memory_space<vmem>>, vector<1x16xf32>,
      %swap3A_124 = vector.shape_cast %swap3A_123 : vector<1x16xf32> to vector<16xf32>
      %swap3A_125 = vector.shape_cast %max3A_120 : vector<16xf32> to vector<1x16xf32>
      tpu.vector_store %arg8[%swap3A_121, %swap3A_122], %swap3A_125 {strides = array<i32>} : memref<328x128xf32, #tpu.memory_space<vmem>>, vector<1x16xf32>,
      %get3A_126 = arith.index_cast %select_n3A_107 : i32 to index
      %get3A_127 = arith.constant 32 : index
      %get3A_128 = tpu.vector_load %arg8[%get3A_126, %get3A_127] {strides = array<i32>} : memref<328x128xf32, #tpu.memory_space<vmem>>, vector<1x16xf32>,
      %get3A_129 = vector.shape_cast %get3A_128 : vector<1x16xf32> to vector<16xf32>
      %max3A_130 = arith.maximumf %get3A_129, %scan3A_99#3 : vector<16xf32>
      %swap3A_131 = arith.index_cast %select_n3A_107 : i32 to index
      %swap3A_132 = arith.constant 32 : index
      %swap3A_133 = tpu.vector_load %arg8[%swap3A_131, %swap3A_132] {strides = array<i32>} : memref<328x128xf32, #tpu.memory_space<vmem>>, vector<1x16xf32>,
      %swap3A_134 = vector.shape_cast %swap3A_133 : vector<1x16xf32> to vector<16xf32>
      %swap3A_135 = vector.shape_cast %max3A_130 : vector<16xf32> to vector<1x16xf32>
      tpu.vector_store %arg8[%swap3A_131, %swap3A_132], %swap3A_135 {strides = array<i32>} : memref<328x128xf32, #tpu.memory_space<vmem>>, vector<1x16xf32>,
      %get3A_136 = arith.index_cast %select_n3A_107 : i32 to index
      %get3A_137 = arith.constant 48 : index
      %get3A_138 = tpu.vector_load %arg8[%get3A_136, %get3A_137] {strides = array<i32>} : memref<328x128xf32, #tpu.memory_space<vmem>>, vector<1x16xf32>,
      %get3A_139 = vector.shape_cast %get3A_138 : vector<1x16xf32> to vector<16xf32>
      %max3A_140 = arith.maximumf %get3A_139, %scan3A_99#4 : vector<16xf32>
      %swap3A_141 = arith.index_cast %select_n3A_107 : i32 to index
      %swap3A_142 = arith.constant 48 : index
      %swap3A_143 = tpu.vector_load %arg8[%swap3A_141, %swap3A_142] {strides = array<i32>} : memref<328x128xf32, #tpu.memory_space<vmem>>, vector<1x16xf32>,
      %swap3A_144 = vector.shape_cast %swap3A_143 : vector<1x16xf32> to vector<16xf32>
      %swap3A_145 = vector.shape_cast %max3A_140 : vector<16xf32> to vector<1x16xf32>
      tpu.vector_store %arg8[%swap3A_141, %swap3A_142], %swap3A_145 {strides = array<i32>} : memref<328x128xf32, #tpu.memory_space<vmem>>, vector<1x16xf32>,
      %get3A_146 = arith.index_cast %select_n3A_107 : i32 to index
      %get3A_147 = arith.constant 64 : index
      %get3A_148 = tpu.vector_load %arg8[%get3A_146, %get3A_147] {strides = array<i32>} : memref<328x128xf32, #tpu.memory_space<vmem>>, vector<1x16xf32>,
      %get3A_149 = vector.shape_cast %get3A_148 : vector<1x16xf32> to vector<16xf32>
      %max3A_150 = arith.maximumf %get3A_149, %scan3A_99#5 : vector<16xf32>
      %swap3A_151 = arith.index_cast %select_n3A_107 : i32 to index
      %swap3A_152 = arith.constant 64 : index
      %swap3A_153 = tpu.vector_load %arg8[%swap3A_151, %swap3A_152] {strides = array<i32>} : memref<328x128xf32, #tpu.memory_space<vmem>>, vector<1x16xf32>,
      %swap3A_154 = vector.shape_cast %swap3A_153 : vector<1x16xf32> to vector<16xf32>
      %swap3A_155 = vector.shape_cast %max3A_150 : vector<16xf32> to vector<1x16xf32>
      tpu.vector_store %arg8[%swap3A_151, %swap3A_152], %swap3A_155 {strides = array<i32>} : memref<328x128xf32, #tpu.memory_space<vmem>>, vector<1x16xf32>,
      %get3A_156 = arith.index_cast %select_n3A_107 : i32 to index
      %get3A_157 = arith.constant 80 : index
      %get3A_158 = tpu.vector_load %arg8[%get3A_156, %get3A_157] {strides = array<i32>} : memref<328x128xf32, #tpu.memory_space<vmem>>, vector<1x16xf32>,
      %get3A_159 = vector.shape_cast %get3A_158 : vector<1x16xf32> to vector<16xf32>
      %max3A_160 = arith.maximumf %get3A_159, %scan3A_99#6 : vector<16xf32>
      %swap3A_161 = arith.index_cast %select_n3A_107 : i32 to index
      %swap3A_162 = arith.constant 80 : index
      %swap3A_163 = tpu.vector_load %arg8[%swap3A_161, %swap3A_162] {strides = array<i32>} : memref<328x128xf32, #tpu.memory_space<vmem>>, vector<1x16xf32>,
      %swap3A_164 = vector.shape_cast %swap3A_163 : vector<1x16xf32> to vector<16xf32>
      %swap3A_165 = vector.shape_cast %max3A_160 : vector<16xf32> to vector<1x16xf32>
      tpu.vector_store %arg8[%swap3A_161, %swap3A_162], %swap3A_165 {strides = array<i32>} : memref<328x128xf32, #tpu.memory_space<vmem>>, vector<1x16xf32>,
      %get3A_166 = arith.index_cast %select_n3A_107 : i32 to index
      %get3A_167 = arith.constant 96 : index
      %get3A_168 = tpu.vector_load %arg8[%get3A_166, %get3A_167] {strides = array<i32>} : memref<328x128xf32, #tpu.memory_space<vmem>>, vector<1x16xf32>,
      %get3A_169 = vector.shape_cast %get3A_168 : vector<1x16xf32> to vector<16xf32>
      %max3A_170 = arith.maximumf %get3A_169, %scan3A_99#7 : vector<16xf32>
      %swap3A_171 = arith.index_cast %select_n3A_107 : i32 to index
      %swap3A_172 = arith.constant 96 : index
      %swap3A_173 = tpu.vector_load %arg8[%swap3A_171, %swap3A_172] {strides = array<i32>} : memref<328x128xf32, #tpu.memory_space<vmem>>, vector<1x16xf32>,
      %swap3A_174 = vector.shape_cast %swap3A_173 : vector<1x16xf32> to vector<16xf32>
      %swap3A_175 = vector.shape_cast %max3A_170 : vector<16xf32> to vector<1x16xf32>
      tpu.vector_store %arg8[%swap3A_171, %swap3A_172], %swap3A_175 {strides = array<i32>} : memref<328x128xf32, #tpu.memory_space<vmem>>, vector<1x16xf32>,
      %get3A_176 = arith.index_cast %select_n3A_107 : i32 to index
      %get3A_177 = arith.constant 112 : index
      %get3A_178 = tpu.vector_load %arg8[%get3A_176, %get3A_177] {strides = array<i32>} : memref<328x128xf32, #tpu.memory_space<vmem>>, vector<1x16xf32>,
      %get3A_179 = vector.shape_cast %get3A_178 : vector<1x16xf32> to vector<16xf32>
      %max3A_180 = arith.maximumf %get3A_179, %scan3A_99#8 : vector<16xf32>
      %swap3A_181 = arith.index_cast %select_n3A_107 : i32 to index
      %swap3A_182 = arith.constant 112 : index
      %swap3A_183 = tpu.vector_load %arg8[%swap3A_181, %swap3A_182] {strides = array<i32>} : memref<328x128xf32, #tpu.memory_space<vmem>>, vector<1x16xf32>,
      %swap3A_184 = vector.shape_cast %swap3A_183 : vector<1x16xf32> to vector<16xf32>
      %swap3A_185 = vector.shape_cast %max3A_180 : vector<16xf32> to vector<1x16xf32>
      tpu.vector_store %arg8[%swap3A_181, %swap3A_182], %swap3A_185 {strides = array<i32>} : memref<328x128xf32, #tpu.memory_space<vmem>>, vector<1x16xf32>,
    }
    %mul3A_82 = arith.constant 320 : i32
    %mul3A_83 = arith.muli %add3A, %mul3A_82 : i32
    %multiple_of3A = tpu.assume_multiple %mul3A_83, 8 : i32
    %lt3A = arith.constant 31 : i32
    %lt3A_84 = arith.cmpi slt, %add3A, %lt3A : i32
    %convert_element_type3A = arith.extui %lt3A_84 : i1 to i32
    %cond3A = arith.constant 0 : i32
    %cond3A_85 = arith.cmpi ne, %convert_element_type3A, %cond3A : i32
    scf.if %cond3A_85 {
      "tpu.region"() ({
        %run_scoped3A = tpu.sem_alloc : memref<!tpu.dma_semaphore, #tpu.memory_space<semaphore_mem>>
        %dma_start3A = arith.constant 0 : i32
        %dma_start3A_90 = arith.constant 0 : i32
        %dma_start3A_91 = tpu.memref_slice %arg8[%dma_start3A, %dma_start3A_90] : memref<328x128xf32, #tpu.memory_space<vmem>> -> memref<320x128xf32, #tpu.memory_space<vmem>>
        %dma_start3A_92 = arith.constant 0 : i32
        %dma_start3A_93 = tpu.memref_slice %arg4[%multiple_of3A, %dma_start3A_92] : memref<10000x128xf32, #tpu.memory_space<hbm>> -> memref<320x128xf32, #tpu.memory_space<hbm>>
        %dma_start3A_94 = arith.constant 0 : i32
        %dma_start3A_95 = tpu.memref_slice %arg4[%multiple_of3A, %dma_start3A_94] : memref<10000x128xf32, #tpu.memory_space<hbm>> -> memref<320x128xf32, #tpu.memory_space<hbm>>
        %dma_start3A_96 = arith.constant 0 : i32
        %dma_start3A_97 = arith.constant 0 : i32
        %dma_start3A_98 = tpu.memref_slice %arg8[%dma_start3A_96, %dma_start3A_97] : memref<328x128xf32, #tpu.memory_space<vmem>> -> memref<320x128xf32, #tpu.memory_space<vmem>>
        tpu.enqueue_dma source(%dma_start3A_98 : memref<320x128xf32, #tpu.memory_space<vmem>>) target(%dma_start3A_95 : memref<320x128xf32, #tpu.memory_space<hbm>>) target_semaphore(%run_scoped3A : memref<!tpu.dma_semaphore, #tpu.memory_space<semaphore_mem>>)
        %dma_wait3A = arith.constant 0 : i32
        %dma_wait3A_99 = arith.constant 0 : i32
        %dma_wait3A_100 = tpu.memref_slice %arg8[%dma_wait3A, %dma_wait3A_99] : memref<328x128xf32, #tpu.memory_space<vmem>> -> memref<320x128xf32, #tpu.memory_space<vmem>>
        %dma_wait3A_101 = arith.constant 0 : i32
        %dma_wait3A_102 = tpu.memref_slice %arg4[%multiple_of3A, %dma_wait3A_101] : memref<10000x128xf32, #tpu.memory_space<hbm>> -> memref<320x128xf32, #tpu.memory_space<hbm>>
        %dma_wait3A_103 = arith.constant 0 : i32
        %dma_wait3A_104 = tpu.memref_slice %arg4[%multiple_of3A, %dma_wait3A_103] : memref<10000x128xf32, #tpu.memory_space<hbm>> -> memref<320x128xf32, #tpu.memory_space<hbm>>
        %dma_wait3A_105 = arith.constant 0 : i32
        %dma_wait3A_106 = arith.constant 0 : i32
        %dma_wait3A_107 = tpu.memref_slice %arg8[%dma_wait3A_105, %dma_wait3A_106] : memref<328x128xf32, #tpu.memory_space<vmem>> -> memref<320x128xf32, #tpu.memory_space<vmem>>
        tpu.wait_dma2 semaphore(%run_scoped3A : memref<!tpu.dma_semaphore, #tpu.memory_space<semaphore_mem>>) src(%dma_wait3A_107 : memref<320x128xf32, #tpu.memory_space<vmem>>) dst(%dma_wait3A_104 : memref<320x128xf32, #tpu.memory_space<hbm>>)
        tpu.yield
      }) : () -> ()
    } else {
    }
    %eq3A = arith.constant 31 : i32
    %eq3A_86 = arith.cmpi eq, %add3A, %eq3A : i32
    %convert_element_type3A_87 = arith.extui %eq3A_86 : i1 to i32
    %cond3A_88 = arith.constant 0 : i32
    %cond3A_89 = arith.cmpi ne, %convert_element_type3A_87, %cond3A_88 : i32
    scf.if %cond3A_89 {
      "tpu.region"() ({
        %run_scoped3A = tpu.sem_alloc : memref<!tpu.dma_semaphore, #tpu.memory_space<semaphore_mem>>
        %dma_start3A = arith.constant 0 : i32
        %dma_start3A_90 = arith.constant 0 : i32
        %dma_start3A_91 = tpu.memref_slice %arg8[%dma_start3A, %dma_start3A_90] : memref<328x128xf32, #tpu.memory_space<vmem>> -> memref<80x128xf32, #tpu.memory_space<vmem>>
        %dma_start3A_92 = arith.constant 0 : i32
        %dma_start3A_93 = tpu.memref_slice %arg4[%multiple_of3A, %dma_start3A_92] : memref<10000x128xf32, #tpu.memory_space<hbm>> -> memref<80x128xf32, #tpu.memory_space<hbm>>
        %dma_start3A_94 = arith.constant 0 : i32
        %dma_start3A_95 = tpu.memref_slice %arg4[%multiple_of3A, %dma_start3A_94] : memref<10000x128xf32, #tpu.memory_space<hbm>> -> memref<80x128xf32, #tpu.memory_space<hbm>>
        %dma_start3A_96 = arith.constant 0 : i32
        %dma_start3A_97 = arith.constant 0 : i32
        %dma_start3A_98 = tpu.memref_slice %arg8[%dma_start3A_96, %dma_start3A_97] : memref<328x128xf32, #tpu.memory_space<vmem>> -> memref<80x128xf32, #tpu.memory_space<vmem>>
        tpu.enqueue_dma source(%dma_start3A_98 : memref<80x128xf32, #tpu.memory_space<vmem>>) target(%dma_start3A_95 : memref<80x128xf32, #tpu.memory_space<hbm>>) target_semaphore(%run_scoped3A : memref<!tpu.dma_semaphore, #tpu.memory_space<semaphore_mem>>)
        %dma_wait3A = arith.constant 0 : i32
        %dma_wait3A_99 = arith.constant 0 : i32
        %dma_wait3A_100 = tpu.memref_slice %arg8[%dma_wait3A, %dma_wait3A_99] : memref<328x128xf32, #tpu.memory_space<vmem>> -> memref<80x128xf32, #tpu.memory_space<vmem>>
        %dma_wait3A_101 = arith.constant 0 : i32
        %dma_wait3A_102 = tpu.memref_slice %arg4[%multiple_of3A, %dma_wait3A_101] : memref<10000x128xf32, #tpu.memory_space<hbm>> -> memref<80x128xf32, #tpu.memory_space<hbm>>
        %dma_wait3A_103 = arith.constant 0 : i32
        %dma_wait3A_104 = tpu.memref_slice %arg4[%multiple_of3A, %dma_wait3A_103] : memref<10000x128xf32, #tpu.memory_space<hbm>> -> memref<80x128xf32, #tpu.memory_space<hbm>>
        %dma_wait3A_105 = arith.constant 0 : i32
        %dma_wait3A_106 = arith.constant 0 : i32
        %dma_wait3A_107 = tpu.memref_slice %arg8[%dma_wait3A_105, %dma_wait3A_106] : memref<328x128xf32, #tpu.memory_space<vmem>> -> memref<80x128xf32, #tpu.memory_space<vmem>>
        tpu.wait_dma2 semaphore(%run_scoped3A : memref<!tpu.dma_semaphore, #tpu.memory_space<semaphore_mem>>) src(%dma_wait3A_107 : memref<80x128xf32, #tpu.memory_space<vmem>>) dst(%dma_wait3A_104 : memref<80x128xf32, #tpu.memory_space<hbm>>)
        tpu.yield
      }) : () -> ()
    } else {
    }
    return
  }
}

module attributes {stable_mosaic.version = 14 : i64} {
  func.func @_mlp_body(%arg0: i32, %arg1: memref<1000x128xf32, #tpu.memory_space<vmem>>, %arg2: memref<128x256xf32, #tpu.memory_space<vmem>>, %arg3: memref<1x256xf32, #tpu.memory_space<vmem>>, %arg4: memref<256x128xf32, #tpu.memory_space<vmem>>, %arg5: memref<1x128xf32, #tpu.memory_space<vmem>>, %arg6: memref<1000x128xf32, #tpu.memory_space<vmem>>) attributes {dimension_semantics = [#tpu.dimension_semantics<arbitrary>], iteration_bounds = array<i64: 10>, scalar_prefetch = 0 : i64, scratch_operands = 0 : i64, tpu.core_type = #tpu.core_type<tc>, window_params = [{transform_indices = @transform_0, window_bounds = array<i64: 1000, 128>}, {pipeline_mode = #tpu.pipeline_mode<synchronous>, transform_indices = @transform_1, window_bounds = array<i64: 128, 256>}, {pipeline_mode = #tpu.pipeline_mode<synchronous>, transform_indices = @transform_2, window_bounds = array<i64: 1, 256>}, {pipeline_mode = #tpu.pipeline_mode<synchronous>, transform_indices = @transform_3, window_bounds = array<i64: 256, 128>}, {pipeline_mode = #tpu.pipeline_mode<synchronous>, transform_indices = @transform_4, window_bounds = array<i64: 1, 128>}, {transform_indices = @transform_5, window_bounds = array<i64: 1000, 128>}]} {
    %get3A = arith.constant 0 : index
    %get3A_0 = arith.constant 0 : index
    %get3A_1 = vector.load %arg1[%get3A, %get3A_0] : memref<1000x128xf32, #tpu.memory_space<vmem>>, vector<1000x128xf32>
    %is_finite3A = tpu.weird %get3A_1 : vector<1000x128xf32> -> vector<1000x128xi1>
    %is_finite3A_2 = arith.constant dense<true> : vector<1000x128xi1>
    %is_finite3A_3 = arith.xori %is_finite3A, %is_finite3A_2 : vector<1000x128xi1>
    %jit3A = arith.constant 0.000000e+00 : f32
    %broadcast_in_dim3A = vector.broadcast %jit3A : f32 to vector<1000x128xf32>
    %select_n3A = arith.select %is_finite3A_3, %get3A_1, %broadcast_in_dim3A : vector<1000x128xi1>, vector<1000x128xf32>
    %get3A_4 = arith.constant 0 : index
    %get3A_5 = arith.constant 0 : index
    %get3A_6 = vector.load %arg2[%get3A_4, %get3A_5] : memref<128x256xf32, #tpu.memory_space<vmem>>, vector<128x256xf32>
    %dot_general3A = arith.constant dense<0.000000e+00> : vector<1000x256xf32>
    %dot_general3A_7 = tpu.matmul %select_n3A, %get3A_6, %dot_general3A {dimension_numbers = #tpu.dot_dimension_numbers<[1], [0], [0], [1], [0, 0, 1, 1], [], []>, transpose_lhs_hint = false} : vector<1000x128xf32>, vector<128x256xf32>, vector<1000x256xf32> -> vector<1000x256xf32>
    %get3A_8 = arith.constant 0 : index
    %get3A_9 = arith.constant 0 : index
    %get3A_10 = vector.load %arg3[%get3A_8, %get3A_9] : memref<1x256xf32, #tpu.memory_space<vmem>>, vector<1x256xf32>
    %add3A = vector.broadcast %get3A_10 : vector<1x256xf32> to vector<1000x256xf32>
    %add3A_11 = arith.addf %dot_general3A_7, %add3A : vector<1000x256xf32>
    %max3A = arith.constant 0.000000e+00 : f32
    %max3A_12 = vector.broadcast %max3A : f32 to vector<1000x256xf32>
    %max3A_13 = arith.maximumf %add3A_11, %max3A_12 : vector<1000x256xf32>
    %get3A_14 = arith.constant 0 : index
    %get3A_15 = arith.constant 0 : index
    %get3A_16 = vector.load %arg4[%get3A_14, %get3A_15] : memref<256x128xf32, #tpu.memory_space<vmem>>, vector<256x128xf32>
    %dot_general3A_17 = arith.constant dense<0.000000e+00> : vector<1000x128xf32>
    %dot_general3A_18 = tpu.matmul %max3A_13, %get3A_16, %dot_general3A_17 {dimension_numbers = #tpu.dot_dimension_numbers<[1], [0], [0], [1], [0, 0, 1, 1], [], []>, transpose_lhs_hint = false} : vector<1000x256xf32>, vector<256x128xf32>, vector<1000x128xf32> -> vector<1000x128xf32>
    %get3A_19 = arith.constant 0 : index
    %get3A_20 = arith.constant 0 : index
    %get3A_21 = vector.load %arg5[%get3A_19, %get3A_20] : memref<1x128xf32, #tpu.memory_space<vmem>>, vector<1x128xf32>
    %add3A_22 = vector.broadcast %get3A_21 : vector<1x128xf32> to vector<1000x128xf32>
    %add3A_23 = arith.addf %dot_general3A_18, %add3A_22 : vector<1000x128xf32>
    %swap3A = arith.constant 0 : index
    %swap3A_24 = arith.constant 0 : index
    %swap3A_25 = vector.load %arg6[%swap3A, %swap3A_24] : memref<1000x128xf32, #tpu.memory_space<vmem>>, vector<1000x128xf32>
    tpu.vector_store %arg6[%swap3A, %swap3A_24], %add3A_23 {strides = array<i32>} : memref<1000x128xf32, #tpu.memory_space<vmem>>, vector<1000x128xf32>,
    return
  }
  func.func @transform_0(%arg0: i32) -> (i32, i32) {
    %c0_i32 = arith.constant 0 : i32
    %c0_i32_0 = arith.constant 0 : i32
    return %arg0, %c0_i32 : i32, i32
  }
  func.func @transform_1(%arg0: i32) -> (i32, i32) {
    %c0_i32 = arith.constant 0 : i32
    %c0_i32_0 = arith.constant 0 : i32
    %c0_i32_1 = arith.constant 0 : i32
    return %c0_i32, %c0_i32_0 : i32, i32
  }
  func.func @transform_2(%arg0: i32) -> (i32, i32) {
    %c0_i32 = arith.constant 0 : i32
    %c0_i32_0 = arith.constant 0 : i32
    %c0_i32_1 = arith.constant 0 : i32
    return %c0_i32, %c0_i32_0 : i32, i32
  }
  func.func @transform_3(%arg0: i32) -> (i32, i32) {
    %c0_i32 = arith.constant 0 : i32
    %c0_i32_0 = arith.constant 0 : i32
    %c0_i32_1 = arith.constant 0 : i32
    return %c0_i32, %c0_i32_0 : i32, i32
  }
  func.func @transform_4(%arg0: i32) -> (i32, i32) {
    %c0_i32 = arith.constant 0 : i32
    %c0_i32_0 = arith.constant 0 : i32
    %c0_i32_1 = arith.constant 0 : i32
    return %c0_i32, %c0_i32_0 : i32, i32
  }
  func.func @transform_5(%arg0: i32) -> (i32, i32) {
    %c0_i32 = arith.constant 0 : i32
    %c0_i32_0 = arith.constant 0 : i32
    return %arg0, %c0_i32 : i32, i32
  }
}

</mosaic_0001>

<sc_bundles>
// kernel: kernel.4.cloned.1.call-start
scs
__scs_entry_jumppad:
0x0: {  	(pc) =	sbr.rel $0x88, $3  }
0x1: {  	(tag) =	ssettag $0x0;
	lr =	simm.s32 $0x1  }
0x2: {  	[smem:$0x3F9B] =	sst lr;
	_ =	strace $0xD0000000  }
0x3: {  	_ = 	snop  }
0x4: {  	_ = 	snop  }
0x5: {  	_ = 	snop  }
0x6: {  	_ = 	snop  }
0x7: {  	_ = 	snop  }
__scs_overlays_trampoline_lowered:
0x8: {  	[smem:$0x3FAA] =	sst s0  }
0x9: {  	[smem:$0x3FAB] =	sst s1  }
0xa: {  	[smem:$0x3FAC] =	sst s2  }
0xb: {  	[smem:$0x3FAD] =	sst s3  }
0xc: {  	[smem:$0x3FAE] =	sst s4  }
0xd: {  	[smem:$0x3FAF] =	sst s5  }
0xe: {  	[smem:$0x3FB0] =	sst s6  }
0xf: {  	[smem:$0x3FB1] =	sst s7  }
0x10: {  	[smem:$0x3FB2] =	sst s8  }
0x11: {  	[smem:$0x3FB3] =	sst s9;
	s0 =	simm.s32 @!p0 $0x0  }
0x12: {  	s1 =	sld [smem:$0x3F99];
	s0 =	simm.s32 @p0 $0x1  }
0x13: {  	[smem:$0x3FB4] =	sst s0;
	s0 =	simm.s32 @!p1 $0x0  }
0x14: {  	s2 =	sld [smem:$0x3F98];
	s0 =	simm.s32 @p1 $0x1  }
0x15: {  	[smem:$0x3FB5] =	sst s0;
	s0 =	simm.s32 @!p2 $0x0  }
0x16: {  	s3 =	sld [smem:$0x3FDB];
	s0 =	simm.s32 @p2 $0x1  }
0x17: {  	s4 =	simm.s32 $0x1BF5;
	[smem:$0x3FB7] =	sst s0  }
0x18: {  	s0 =	sld [smem:$0x3F9A];
	_ =	swait.ge [sflag:s4], $0x0  }
0x19: {  	s7 =	sld [smem:$0x3F9B]  }
0x1a: {  	s8 =	sadd.s32 $0xFFFFE003, lr  }
0x1b: {  	s9 =	sadd.s32 $0xFFFFFEF7, lr;
	s5 =	simm.s32 $0xFFFFFFFF;
	p2 =	slt.u32 s8, $0xFFFFF086  }
0x1c: {  	p1 =	slt.u32 s9, $0xF7A;
	s5 =	simm.s32 @!p2 $0x0  }
0x1d: {  	s5 =	simm.s32 @p1 $0x1;
	p0 =	seq.s32 s7, s2  }
0x1e: {  	s7 =	smul.u32 @!p0 $0xF7A, s2;
	p2 =	seq.s32 @!p0 s5, $0x0  }
0x1f: {  	s9 =	smul.u32 $0xF7A, s1;
	s8 =	simm.s32 @!p0 $0x1BF5;
	p2 =	por !p2, p0  }
0x20: {  	[sflag:s8] =	ssyncset.s32 @!p0 $0xFFFFF086;
	s6 =	sadd.s32 @!p0 s3, s7;
	s7 =	simm.s32 @!p0 $0x108  }
0x21: {  	s3 =	sadd.s32 s3, s9;
	s6 =	sadd.s32 @!p0 $0x88, s6;
	s7 =	simm.s32 @p2 $0x1082  }
0x22: {  	[simem:s7], [sflag:s8] =	dma.local @!p0 [hbm:s6], $0xF7A  }
0x23: {  	s9 =	sor.u32 $0xD0000000, s2;
	s6 =	simm.s32 $0x108;
	_ =	swait.ge @!p0 [sflag:s8], $0x0  }
0x24: {  	s3 =	sadd.s32 $0x88, s3;
	s6 =	simm.s32 @!p1 $0x1082;
	[sflag:s4] =	ssyncset.s32 $0xFFFFF086  }
0x25: {  	[simem:s6], [sflag:s4] =	dma.local [hbm:s3], $0xF7A  }
0x26: {  	[smem:$0x3F9B] =	sst s1;
	(tag) =	ssettag s2;
	_ =	strace s9  }
0x27: {  	s1 =	sld [smem:$0x3FAB]  }
0x28: {  	s2 =	sld [smem:$0x3FAC]  }
0x29: {  	s4 =	sld [smem:$0x3FAE]  }
0x2a: {  	p0 =	seq.s32 s5, $0x0;
	s5 =	sld [smem:$0x3FAF]  }
0x2b: {  	s6 =	sld [smem:$0x3FB0]  }
0x2c: {  	s7 =	sld [smem:$0x3FB1]  }
0x2d: {  	s3 =	simm.s32 $0x108;
	s8 =	sld [smem:$0x3FB2]  }
0x2e: {  	s3 =	simm.s32 @!p0 $0x1082;
	s9 =	sld [smem:$0x3FB3]  }
0x2f: {  	lr =	sadd.s32 s0, s3;
	s0 =	sld [smem:$0x3FAA]  }
0x30: {  	s3 =	sld [smem:$0x3FAD]  }
0x31: {  	[smem:$0x3FB6] =	sst s10  }
0x32: {  	s10 =	sld [smem:$0x3FB4];
	_ =	sdelay $0x3  }
0x33: {  	p0 =	seq.s32 s10, $0x1;
	s10 =	sld [smem:$0x3FB6];
	_ =	sdelay $0x3  }
0x34: {  	[smem:$0x3FB6] =	sst s10  }
0x35: {  	s10 =	sld [smem:$0x3FB5];
	_ =	sdelay $0x3  }
0x36: {  	p1 =	seq.s32 s10, $0x1;
	s10 =	sld [smem:$0x3FB6];
	_ =	sdelay $0x3  }
0x37: {  	[smem:$0x3FB6] =	sst s10  }
0x38: {  	s10 =	sld [smem:$0x3FB7]  }
0x39: {  	_ = 	snop;
	(pc) =	sbr.ind lr, $3  }
0x3a: {  	_ = 	snop  }
0x3b: {  	_ = 	snop  }
0x3c: {  	p2 =	seq.s32 s10, $0x1;
	s10 =	sld [smem:$0x3FB6]  }
0x3d: {  	_ =	shalt  }
0x3e: {  	_ =	shalt  }
0x3f: {  	_ =	shalt  }
0x40: {  	_ =	shalt  }
0x41: {  	_ =	shalt  }
0x42: {  	_ =	shalt  }
0x43: {  	_ =	shalt  }
0x44: {  	_ =	shalt  }
0x45: {  	_ =	shalt  }
0x46: {  	_ =	shalt  }
0x47: {  	_ =	shalt  }
0x48: {  	_ =	shalt  }
0x49: {  	_ =	shalt  }
0x4a: {  	_ =	shalt  }
0x4b: {  	_ =	shalt  }
0x4c: {  	_ =	shalt  }
0x4d: {  	_ =	shalt  }
0x4e: {  	_ =	shalt  }
0x4f: {  	_ =	shalt  }
0x50: {  	_ =	shalt  }
0x51: {  	_ =	shalt  }
0x52: {  	_ =	shalt  }
0x53: {  	_ =	shalt  }
0x54: {  	_ =	shalt  }
0x55: {  	_ =	shalt  }
0x56: {  	_ =	shalt  }
0x57: {  	_ =	shalt  }
0x58: {  	_ =	shalt  }
0x59: {  	_ =	shalt  }
0x5a: {  	_ =	shalt  }
0x5b: {  	_ =	shalt  }
0x5c: {  	_ =	shalt  }
0x5d: {  	_ =	shalt  }
0x5e: {  	_ =	shalt  }
0x5f: {  	_ =	shalt  }
0x60: {  	_ =	shalt  }
0x61: {  	_ =	shalt  }
0x62: {  	_ =	shalt  }
0x63: {  	_ =	shalt  }
0x64: {  	_ =	shalt  }
0x65: {  	_ =	shalt  }
0x66: {  	_ =	shalt  }
0x67: {  	_ =	shalt  }
0x68: {  	_ =	shalt  }
0x69: {  	_ =	shalt  }
0x6a: {  	_ =	shalt  }
0x6b: {  	_ =	shalt  }
0x6c: {  	_ =	shalt  }
0x6d: {  	_ =	shalt  }
0x6e: {  	_ =	shalt  }
0x6f: {  	_ =	shalt  }
0x70: {  	_ =	shalt  }
0x71: {  	_ =	shalt  }
0x72: {  	_ =	shalt  }
0x73: {  	_ =	shalt  }
0x74: {  	_ =	shalt  }
0x75: {  	_ =	shalt  }
0x76: {  	_ =	shalt  }
0x77: {  	_ =	shalt  }
0x78: {  	_ =	shalt  }
0x79: {  	_ =	shalt  }
0x7a: {  	_ =	shalt  }
0x7b: {  	_ =	shalt  }
0x7c: {  	_ =	shalt  }
0x7d: {  	_ =	shalt  }
0x7e: {  	_ =	shalt  }
0x7f: {  	_ =	shalt  }
0x80: {  	_ =	shalt  }
0x81: {  	_ =	shalt  }
0x82: {  	_ =	shalt  }
0x83: {  	_ =	shalt  }
0x84: {  	_ =	shalt  }
0x85: {  	_ =	shalt  }
0x86: {  	_ =	shalt  }
0x87: {  	_ =	shalt  }
.Lfunc_end0:
.L_simem_size_0:
called_computation_lowered:
.L_overlay_start_0:
0x88: {  	s2 =	sld [smem:$0x3FD9]  }
0x89: {  	s3 =	sld [smem:$0x3FFE];
	_ =	sdelay $0x1  }
0x8a: {  	s1 =	srdreg.scid  }
0x8b: {  	s0 =	sand.u32 $0x1, s1  }
0x8c: {  	s18 =	sshll.u32 s0, $0xA;
	s2 =	sadd.s32 s3, s2  }
0x8d: {  	s2 =	sadd.s32 s2, s18  }
0x8e: {  	[smem:$0x3FC2] =	sst s2  }
0x8f: {  	_ = 	snop  }
0x90: {  	s2 =	sld [smem:$0x3FC9]  }
0x91: {  	s19 =	sld [smem:$0x3FC8]  }
0x92: {  	s4 =	sld [smem:$0x3FD0];
	(tm) =	ssettm $0x1  }
0x93: {  	s5 =	sld [smem:$0x3FFB];
	_ =	sdelay $0x3  }
0x94: {  	_ =	strace s5  }
0x95: {  	s5 =	sld [smem:$0x3FFC];
	_ =	sdelay $0x3  }
0x96: {  	_ =	strace s5  }
0x97: {  	s5 =	sld [smem:$0x3FFD];
	_ =	sdelay $0x3  }
0x98: {  	_ =	strace s5  }
0x99: {  	_ =	strace $0x8FFFFFFF  }
0x9a: {  	s20 =	sld [smem:$0x3FDB];
	_ =	sdelay $0x1  }
0x9b: {  	s6 =	simm.s32 $_scs_section_size  }
0x9c: {  	s7 =	simm.s32 $_size__tile_overlayer_lowered;
	s8 =	simm.s32 $_tile_overlayer_lowered  }
0x9d: {  	s23 =	simm.s32 $0x1BFF;
	s22 =	sshll.u32 s8, $0x1;
	s5 =	sadd.s32 s6, s20  }
0x9e: {  	s9 =	simm.s32 $0x0;
	s21 =	sshll.u32 s7, $0x1;
	s7 =	sadd.s32 s22, s5  }
0x9f: {  	[timem:s9], [sflag:s23] =	dma.local [hbm:s7], s21  }
0xa0: {  	_ =	swait.ge [sflag:s23], s21  }
0xa1: {  	s6 =	ssub.s32 $0x0, s21;
	[sflag:s23] =	ssyncset.done $0x0  }
0xa2: {  	[sflag:s23] =	ssyncadd.s32 s6;
	_ =	sdelay $0x1  }
0xa3: {  	s24 =	simm.s32 $0x1B8B  }
0xa4: {  	_ =	swait.ge [sflag:s24], $0x1  }
0xa5: {  	[sflag:s24] =	ssyncset.done $0x0  }
0xa6: {  	s25 =	simm.s32 $0x1B8E;
	[sflag:s24] =	ssyncadd.s32 $0xFFFFFFFF  }
0xa7: {  	s26 =	simm.s32 $execute0_lowered;
	[smem:$0x3FD2] =	sst s25  }
0xa8: {  	s6 =	sshll.u32 s26, $0x1;
	_ =	strace $0x80000046;
	[dreg:$0x1] =	wrdreg $0xFFFFFFFF  }
0xa9: {  	s28 =	simm.s32 $_size_execute0_lowered;
	s5 =	sadd.s32 s5, s6;
	[dreg:$0x0] =	wrdreg $0x0  }
0xaa: {  	s6 =	sshll.u32 s28, $0x1;
	[dreg:$0x2] =	wrdreg s5  }
0xab: {  	[dreg:$0x3] =	wrdreg s6  }
0xac: {  	[dreg:$0x4] =	wrdreg $0xC0  }
0xad: {  	_ =	task [dreg:s9], $0x5FFFF  }
0xae: {  	[dreg:$0x1] =	wrdreg $0xFFFFFFFF  }
0xaf: {  	[dreg:$0x0] =	wrdreg $0x60  }
0xb0: {  	[dreg:$0x2] =	wrdreg s19  }
0xb1: {  	[dreg:$0x3] =	wrdreg s2  }
0xb2: {  	[dreg:$0x4] =	wrdreg s4  }
0xb3: {  	[dreg:$0x5] =	wrdreg $0x9  }
0xb4: {  	_ =	task.clear_ibuf [dreg:s9], $0x6FFFF;
	_ =	strace $0x90000046  }
0xb5: {  	s29 =	simm.s32 $0x9;
	_ =	strace $0x80000048  }
0xb6: {  	_ =	swait.ge [sflag:s29], $0x1  }
0xb7: {  	[sflag:s29] =	ssyncadd.s32 $0xFFFFFFFF  }
0xb8: {  	_ =	strace $0x90000048  }
0xb9: {  	_ =	sfence  }
0xba: {  	s30 =	sld [smem:$0x0];
	_ =	sdelay $0x2  }
0xbb: {  	s31 =	sshll.u32 s1, $0xD;
	s1 =	sshrl.u32 s1, $0x2  }
0xbc: {  	s3 =	sand.u32 $0x4000, s31;
	s1 =	sadd.s32 s1, s30  }
0xbd: {  	s0 =	sor.u32 s3, s0;
	s1 =	sshll.u32 s1, $0x11  }
0xbe: {  	s0 =	sor.u32 s1, s0  }
0xbf: {  	s0 =	sadd.s32 $0x8F2B, s0  }
0xc0: {  	[sflag:s0] =	ssyncadd.remote.s32 $0x1  }
0xc1: {  	_ =	sfence.sel $0xFFFF  }
0xc2: {  	[dreg:$0x0] =	wrdreg $0xFFFFFFFF;
	(pc) =	sbr.abs _section_cstart, $3  }
0xc3: {  	[dreg:$0x1] =	wrdreg $0xFFFFFFFF  }
0xc4: {  	_ =	task.clear_ibuf [dreg:s9], $0x2FFFF;
	_ =	strace $0x9FFFFFFF  }
0xc5: {  	(tm) =	ssettm $0x7FFFFFFF  }
tec
execute0_lowered:
.L_overlay_start_1:
0x0: {  	(tag) =	ssettag $0x1  }
0x1: {  	s1 =	rddreg [dreg:$0x0]  }
0x2: {  	s2 =	srdreg.scid;
	s0 =	stileid.u32  }
0x3: {  	s3 =	rddreg [dreg:$0x1];
	s5 =	sand.u32 $0x1, s2;
	s4 =	sshll.u32 s0, $0x1  }
0x4: {  	s8 =	rddreg [dreg:$0x2];
	s11 =	simm.s32 $0x80;
	s13 =	sor.u32 s5, s4  }
0x5: {  	s12 =	simm.s32 $0x200;
	s6 =	ssub.s32 $0x2, s5;
	s5 =	smul.u32 $0x140, s13  }
.Ltmp0:
0x6: {  	s2 =	rddreg [dreg:$0x3];
	s4 =	simm.s32 $0x0;
	(pc) =	sbr.rel .LBB2_1-.Ltmp0, $4  }
0x7: {  	[smem:$0x7FF] =	sst s4;
	s7 =	sshrl.u32 s6, $0x1;
	s9 =	smul.u32 $0x1400, s13  }
0x8: {  	p0 =	seq.s32 s13, $0x1F;
	s13 =	simm.s32 $0x0;
	_ =	strace $0x80000047  }
0x9: {  	s10 =	ssub.s32 s6, s7;
	s6 =	sadd.s32 $0x140, s5;
	s7 =	sadd.s32 s8, s9  }
0xa: {  	v0 =	vimm.f32 $-Inf;
	s8 =	sadd.s32 $0x26C00, s8;
	s9 =	smax.u32 s10, $0x1;
	s10 =	simm.s32 $0x1  }
.LBB2_12:
0xb: {  	s14 =	simm.s32 @p0 $0x0;
	s15 =	simm.s32 @p0 $0x8200  }
0xc: {  	[hbm4b:s8+s14] =	stream.linear.scatter @p0 [tilespmem:s15], [sflag:$0x1], $0x2800, $0x38;
	[tilespmem:$0x12600] =	vst v63  }
0xd: {  	s14 =	simm.s32 @p0 $0x1  }
0xe: {  	_ =	swait.ge @p0 [sflag:s14], $0x2800  }
0xf: {  	s13 =	sadd.s32 $0x1, s13;
	s15 =	simm.s32 @!p0 $0x8200;
	[sflag:s14] =	ssyncset.done @p0 $0x0  }
0x10: {  	p1 =	sne.s32 s13, s9;
	[sflag:s14] =	ssyncadd.s32 @p0 $0xFFFFD800;
	s14 =	simm.s32 @!p0 $0x0  }
0x11: {  	[hbm4b:s7+s14] =	stream.linear.scatter @!p0 [tilespmem:s15], [sflag:$0x1], $0xA000, $0x38;
	[tilespmem:$0x12600] =	vst v63  }
.Ltmp1:
0x12: {  	_ = 	snop;
	(pc) =	sbr.rel @!p1 .LBB2_13-.Ltmp1, $4  }
0x13: {  	s14 =	simm.s32 @!p0 $0x1  }
0x14: {  	_ =	swait.ge @!p0 [sflag:s14], $0xA000  }
0x15: {  	[sflag:s14] =	ssyncset.done @!p0 $0x0  }
0x16: {  	[sflag:s14] =	ssyncadd.s32 @!p0 $0xFFFF6000  }
.LBB2_1:
0x17: {  	s14 =	simm.s32 $0x4E200  }
0x18: {  	s14 =	sand.u32 $0x1, s14  }
0x19: {  	p1 =	por $0x0, $0x0;
	p2 =	seq.s32 s14, $0x1  }
0x1a: {  	p1 =	por !p1, !p2  }
0x1b: {  	s14 =	simm.s32 $0x1;
	p1 =	por !p1, !p1  }
0x1c: {  	s14 =	simm.s32 @!p1 $0x0  }
0x1d: {  	s17 =	ssub.s32 $0x27100, s14  }
0x1e: {  	s14 =	sand.u32 $0x7, s17  }
0x1f: {  	s15 =	sshra.s32 s17, $0x1F;
	p5 =	slt.s32 s17, $0x1;
	p6 =	sne.s32 s14, $0x0  }
0x20: {  	s29 =	sshrl.u32 s15, $0x1D;
	p1 =	por !p5, !p6  }
0x21: {  	s15 =	simm.s32 $0x1;
	s14 =	sadd.s32 s29, s17;
	p1 =	por !p1, !p1  }
0x22: {  	s14 =	sshrl.u32 s14, $0x3;
	s15 =	simm.s32 @!p1 $0x0  }
0x23: {  	s14 =	ssub.s32 s14, s15  }
0x24: {  	s14 =	sshll.u32 s14, $0x3  }
0x25: {  	p1 =	slt.s32 s14, $0x4E1F0  }
0x26: {  	s14 =	simm.s32 @!p1 $0x4E1F0  }
0x27: {  	s30 =	sshrl.u32 s14, $0x3  }
0x28: {  	s15 =	sadd.s32 s1, s30  }
0x29: {  	[tilespmem:s4], [sflag:$0x1] =	stream.linear.gather [hbm4b:s15+s4], $0x10, $0x38;
	[tilespmem:$0x12600] =	vst v63  }
0x2a: {  	_ =	swait.ge [sflag:s10], $0x10  }
0x2b: {  	[sflag:s10] =	ssyncset.done $0x0  }
0x2c: {  	s14 =	ssub.s32 s17, s14;
	[sflag:s10] =	ssyncadd.s32 $0xFFFFFFF0  }
0x2d: {  	v1 =	vld [tilespmem:s14+$0x0];
	_ =	sdelay $0x4  }
0x2e: {  	(v2sf) =	vpush v1, $0x0;
	_ =	sdelay $0xd  }
0x2f: {  	s16 =	simm.s32 $0x4E200  }
0x30: {  	s18 =	simm.s32 $0x12;
	s21 =	simm.s32 $0x4E200;
	s31 =	spop (v2sf)  }
0x31: {  	s20 =	sadd.s32 $0x1, s17;
	s14 =	simm.s32 $0x0;
	p2 =	slt.s32 s31, s5  }
.LBB2_2:
0x32: {  	p1 =	sne.s32 s18, $0x1;
	s14 =	smov.u32 @p2 s20;
	s17 =	smov.u32 @p2 s21  }
0x33: {  	s18 =	sadd.s32 $0xFFFFFFFF, s18;
	s15 =	sadd.s32 s14, s17  }
0x34: {  	s19 =	sshrl.u32 s15, $0x1F;
	s20 =	sand.u32 $0x1, s15  }
0x35: {  	p2 =	slt.s32 s15, $0x1;
	s19 =	sadd.s32 s19, s15;
	p3 =	seq.s32 s20, $0x1  }
0x36: {  	p2 =	por !p2, !p3  }
0x37: {  	s15 =	sshra.s32 s19, $0x1;
	s19 =	simm.s32 $0x1;
	p2 =	por !p2, !p2  }
0x38: {  	s19 =	simm.s32 @!p2 $0x0  }
0x39: {  	s19 =	ssub.s32 s15, s19  }
0x3a: {  	s15 =	sshra.s32 s19, $0x1F;
	s20 =	sand.u32 $0x7, s19  }
0x3b: {  	p2 =	slt.s32 s19, $0x1;
	s15 =	sshrl.u32 s15, $0x1D;
	p3 =	sne.s32 s20, $0x0  }
0x3c: {  	s15 =	sadd.s32 s15, s19;
	p2 =	por !p2, !p3  }
0x3d: {  	s20 =	simm.s32 $0x1;
	p2 =	por !p2, !p2  }
0x3e: {  	s15 =	sshrl.u32 s15, $0x3;
	s20 =	simm.s32 @!p2 $0x0  }
0x3f: {  	s15 =	ssub.s32 s15, s20  }
0x40: {  	s15 =	sshll.u32 s15, $0x3  }
0x41: {  	p2 =	slt.s32 s15, $0x4E1F0  }
0x42: {  	s15 =	simm.s32 @!p2 $0x4E1F0  }
0x43: {  	s20 =	sshrl.u32 s15, $0x3;
	s21 =	ssub.s32 s19, s15  }
0x44: {  	s15 =	simm.s32 $0x0;
	s20 =	sadd.s32 s1, s20  }
0x45: {  	[tilespmem:s15], [sflag:$0x1] =	stream.linear.gather [hbm4b:s20+s15], $0x10, $0x38;
	[tilespmem:$0x12600] =	vst v63  }
0x46: {  	_ =	swait.ge [sflag:s10], $0x10  }
0x47: {  	[sflag:s10] =	ssyncset.done $0x0  }
0x48: {  	[sflag:s10] =	ssyncadd.s32 $0xFFFFFFF0  }
0x49: {  	v1 =	vld [tilespmem:s21+$0x0];
	_ =	sdelay $0x4  }
0x4a: {  	(v2sf) =	vpush v1, $0x0;
	_ =	sdelay $0xb  }
.Ltmp2:
0x4b: {  	(pc) =	sbr.rel @p1 .LBB2_2-.Ltmp2, $3  }
0x4c: {  	_ =	sdelay $0x1  }
0x4d: {  	s21 =	smov.u32 s17;
	s20 =	spop (v2sf)  }
0x4e: {  	s17 =	smov.u32 s19;
	p2 =	slt.s32 s20, s5;
	s20 =	sadd.s32 $0x1, s19  }
0x4f: {  	s17 =	simm.s32 $0x4E200  }
0x50: {  	s17 =	sand.u32 $0x1, s17  }
0x51: {  	p1 =	por $0x0, $0x0;
	p3 =	seq.s32 s17, $0x1  }
0x52: {  	p1 =	por !p1, !p3  }
0x53: {  	s17 =	simm.s32 $0x1;
	p1 =	por !p1, !p1  }
0x54: {  	s17 =	simm.s32 @!p1 $0x0  }
0x55: {  	s18 =	ssub.s32 $0x27100, s17  }
0x56: {  	s17 =	sand.u32 $0x7, s18  }
0x57: {  	s19 =	sshra.s32 s18, $0x1F;
	p5 =	slt.s32 s18, $0x1;
	p6 =	sne.s32 s17, $0x0  }
0x58: {  	s29 =	sshrl.u32 s19, $0x1D;
	p1 =	por !p5, !p6  }
0x59: {  	s19 =	simm.s32 $0x1;
	s17 =	sadd.s32 s29, s18;
	p1 =	por !p1, !p1  }
0x5a: {  	s17 =	sshrl.u32 s17, $0x3;
	s19 =	simm.s32 @!p1 $0x0  }
0x5b: {  	s17 =	ssub.s32 s17, s19  }
0x5c: {  	s17 =	sshll.u32 s17, $0x3  }
0x5d: {  	p1 =	slt.s32 s17, $0x4E1F0  }
0x5e: {  	s17 =	simm.s32 @!p1 $0x4E1F0  }
0x5f: {  	s30 =	sshrl.u32 s17, $0x3  }
0x60: {  	s19 =	sadd.s32 s1, s30  }
0x61: {  	[tilespmem:s15], [sflag:$0x1] =	stream.linear.gather [hbm4b:s19+s15], $0x10, $0x38;
	[tilespmem:$0x12600] =	vst v63  }
0x62: {  	_ =	swait.ge [sflag:s10], $0x10  }
0x63: {  	[sflag:s10] =	ssyncset.done $0x0  }
0x64: {  	s17 =	ssub.s32 s18, s17;
	[sflag:s10] =	ssyncadd.s32 $0xFFFFFFF0  }
0x65: {  	v1 =	vld [tilespmem:s17+$0x0];
	_ =	sdelay $0x4  }
0x66: {  	(v2sf) =	vpush v1, $0x0;
	_ =	sdelay $0xe  }
0x67: {  	s14 =	smov.u32 @p2 s20;
	s21 =	sadd.s32 $0x1, s18;
	s31 =	spop (v2sf)  }
0x68: {  	s19 =	simm.s32 $0x12;
	s17 =	simm.s32 $0x0;
	p2 =	slt.s32 s31, s6  }
.LBB2_4:
0x69: {  	p1 =	sne.s32 s19, $0x1;
	s17 =	smov.u32 @p2 s21;
	s18 =	smov.u32 @p2 s16  }
0x6a: {  	s19 =	sadd.s32 $0xFFFFFFFF, s19;
	s16 =	sadd.s32 s17, s18  }
0x6b: {  	s20 =	sshrl.u32 s16, $0x1F;
	s21 =	sand.u32 $0x1, s16  }
0x6c: {  	p2 =	slt.s32 s16, $0x1;
	s20 =	sadd.s32 s20, s16;
	p3 =	seq.s32 s21, $0x1  }
0x6d: {  	p2 =	por !p2, !p3  }
0x6e: {  	s16 =	sshra.s32 s20, $0x1;
	s20 =	simm.s32 $0x1;
	p2 =	por !p2, !p2  }
0x6f: {  	s20 =	simm.s32 @!p2 $0x0  }
0x70: {  	s20 =	ssub.s32 s16, s20  }
0x71: {  	s16 =	sshra.s32 s20, $0x1F;
	s21 =	sand.u32 $0x7, s20  }
0x72: {  	p2 =	slt.s32 s20, $0x1;
	s16 =	sshrl.u32 s16, $0x1D;
	p3 =	sne.s32 s21, $0x0  }
0x73: {  	s16 =	sadd.s32 s16, s20;
	p2 =	por !p2, !p3  }
0x74: {  	s21 =	simm.s32 $0x1;
	p2 =	por !p2, !p2  }
0x75: {  	s16 =	sshrl.u32 s16, $0x3;
	s21 =	simm.s32 @!p2 $0x0  }
0x76: {  	s16 =	ssub.s32 s16, s21  }
0x77: {  	s16 =	sshll.u32 s16, $0x3  }
0x78: {  	p2 =	slt.s32 s16, $0x4E1F0  }
0x79: {  	s16 =	simm.s32 @!p2 $0x4E1F0  }
0x7a: {  	s21 =	sshrl.u32 s16, $0x3;
	s16 =	ssub.s32 s20, s16  }
0x7b: {  	s21 =	sadd.s32 s1, s21  }
0x7c: {  	[tilespmem:s15], [sflag:$0x1] =	stream.linear.gather [hbm4b:s21+s15], $0x10, $0x38;
	[tilespmem:$0x12600] =	vst v63  }
0x7d: {  	_ =	swait.ge [sflag:s10], $0x10  }
0x7e: {  	[sflag:s10] =	ssyncset.done $0x0  }
0x7f: {  	[sflag:s10] =	ssyncadd.s32 $0xFFFFFFF0  }
0x80: {  	v1 =	vld [tilespmem:s16+$0x0];
	_ =	sdelay $0x4  }
0x81: {  	(v2sf) =	vpush v1, $0x0;
	_ =	sdelay $0xb  }
.Ltmp3:
0x82: {  	(pc) =	sbr.rel @p1 .LBB2_4-.Ltmp3, $3  }
0x83: {  	_ =	sdelay $0x1  }
0x84: {  	s21 =	sadd.s32 $0x1, s20;
	s16 =	spop (v2sf)  }
0x85: {  	p2 =	slt.s32 s16, s6;
	s16 =	smov.u32 s18;
	s18 =	smov.u32 s20  }
0x86: {  	s17 =	smov.u32 @p2 s21;
	s15 =	simm.s32 $0x0;
	s16 =	simm.s32 $0x200  }
.LBB2_6:
0x87: {  	p1 =	sne.s32 s16, $0x28E00;
	[tilespmem:s15+$0x8270] =	vst v0  }
0x88: {  	[tilespmem:s15+$0x8200] =	vst v0  }
0x89: {  	[tilespmem:s15+$0x8210] =	vst v0  }
.Ltmp4:
0x8a: {  	[tilespmem:s15+$0x8220] =	vst v0;
	(pc) =	sbr.rel @p1 .LBB2_6-.Ltmp4, $4  }
0x8b: {  	[tilespmem:s15+$0x8230] =	vst v0  }
0x8c: {  	[tilespmem:s15+$0x8240] =	vst v0  }
0x8d: {  	[tilespmem:s15+$0x8250] =	vst v0  }
0x8e: {  	[tilespmem:s15+$0x8260] =	vst v0;
	s15 =	sshra.s32 s16, $0x2;
	s16 =	sadd.s32 $0x200, s16  }
0x8f: {  	p1 =	slt.s32 s14, $0x4E200  }
0x90: {  	p2 =	slt.s32 s14, $0x1;
	s16 =	smov.u32 s17;
	s14 =	simm.s32 @!p1 $0x4E200  }
0x91: {  	p6 =	slt.s32 s17, $0xFFFFFF02;
	p1 =	slt.s32 s17, $0x4E200;
	s18 =	sshra.s32 s14, $0x1F  }
0x92: {  	s16 =	simm.s32 @!p1 $0x4E200;
	s19 =	sand.u32 $0xFF, s14;
	s18 =	sshrl.u32 s18, $0x18  }
0x93: {  	s16 =	sadd.s32 $0xFF, s16;
	p5 =	sne.s32 s19, $0x0;
	s14 =	sadd.s32 s18, s14  }
0x94: {  	s30 =	sand.u32 $0xFF, s16;
	p1 =	por !p2, !p5;
	s31 =	sshra.s32 s16, $0x1F  }
0x95: {  	s18 =	simm.s32 $0x1;
	p3 =	sne.s32 s30, $0x0;
	s14 =	sshra.s32 s14, $0x8  }
0x96: {  	p1 =	por !p1, !p1;
	s17 =	sshrl.u32 s31, $0x18;
	p2 =	por !p6, !p3  }
0x97: {  	s16 =	sadd.s32 s17, s16;
	s17 =	simm.s32 $0x1;
	p2 =	por !p2, !p2  }
0x98: {  	[tilespmem:s15+$0x8270] =	vst v0;
	s18 =	simm.s32 @!p1 $0x0;
	s16 =	sshra.s32 s16, $0x8;
	s17 =	simm.s32 @!p2 $0x0  }
0x99: {  	[tilespmem:s15+$0x8200] =	vst v0;
	s14 =	ssub.s32 s14, s18;
	s16 =	ssub.s32 s16, s17  }
0x9a: {  	[tilespmem:s15+$0x8210] =	vst v0;
	p1 =	sle.s32 s16, s14  }
.Ltmp5:
0x9b: {  	[tilespmem:s15+$0x8220] =	vst v0;
	(pc) =	sbr.rel @p1 .LBB2_12-.Ltmp5, $4  }
0x9c: {  	[tilespmem:s15+$0x8230] =	vst v0  }
0x9d: {  	[tilespmem:s15+$0x8240] =	vst v0  }
0x9e: {  	[tilespmem:s15+$0x8250] =	vst v0  }
0x9f: {  	[tilespmem:s15+$0x8260] =	vst v0  }
0xa0: {  	p1 =	sgt.s32 s16, s14;
	s15 =	smov.u32 s14  }
0xa1: {  	s15 =	smov.u32 @p1 s16  }
.LBB2_9:
0xa2: {  	s16 =	sshll.u32 s14, $0x5  }
0xa3: {  	s16 =	sand.u32 $0x1FFFFFE0, s16  }
0xa4: {  	s17 =	simm.s32 $0x0;
	s16 =	sadd.s32 s1, s16  }
0xa5: {  	[tilespmem:s11], [sflag:$0x1] =	stream.linear.gather [hbm4b:s16+s17], $0x100, $0x38;
	[tilespmem:$0x12600] =	vst v63  }
0xa6: {  	s30 =	sshll.u32 s14, $0xC;
	_ =	swait.ge [sflag:s10], $0x100  }
0xa7: {  	s16 =	sand.u32 $0x1FFFF000, s30;
	[sflag:s10] =	ssyncset.done $0x0  }
0xa8: {  	s16 =	sadd.s32 s3, s16;
	[sflag:s10] =	ssyncadd.s32 $0xFFFFFF00  }
0xa9: {  	[tilespmem:s12], [sflag:$0x1] =	stream.linear.gather [hbm4b:s16+s17], $0x8000, $0x38;
	[tilespmem:$0x12600] =	vst v63  }
0xaa: {  	_ =	swait.ge [sflag:s10], $0x8000  }
0xab: {  	[sflag:s10] =	ssyncset.done $0x0  }
0xac: {  	s31 =	simm.s32 $0x0;
	[sflag:s10] =	ssyncadd.s32 $0xFFFF8000  }
0xad: {  	v1 =	vld [tilespmem:s31+$0x80];
	_ =	sdelay $0x4  }
0xae: {  	(v2sf) =	vpush v1, $0x0;
	_ =	sdelay $0xe  }
0xaf: {  	s17 =	spop (v2sf)  }
0xb0: {  	p1 =	seq.s32 s17, $0xFFFFFFFF  }
0xb1: {  	p2 =	sgt.s32 @!p1 s6, $0xFFFFFFFF;
	s16 =	ssub.s32 @!p1 $0xFFFFFFFF, s5  }
0xb2: {  	p3 =	sle.s32 @!p1 s5, $0xFFFFFFFF;
	s23 =	sshll.u32 @!p1 s16, $0x7;
	p2 =	por !p2, p1  }
0xb3: {  	p3 =	por !p3, p1;
	s23 =	simm.s32 @p2 $0xA000  }
0xb4: {  	s23 =	simm.s32 @p3 $0xA000  }
0xb5: {  	v2 =	vld @!p1 [tilespmem:s23+$0x8270]  }
0xb6: {  	v3 =	vld @!p1 [tilespmem:s23+$0x8230]  }
0xb7: {  	v4 =	vld @!p1 [tilespmem:s23+$0x8220]  }
0xb8: {  	v5 =	vld @!p1 [tilespmem:s23+$0x8260]  }
0xb9: {  	v8 =	vld @!p1 [tilespmem:s23+$0x8210]  }
0xba: {  	v6 =	vld @!p1 [tilespmem:s23+$0x8240]  }
0xbb: {  	v1 =	vimm.f32 $-Inf;
	v7 =	vld @!p1 [tilespmem:s23+$0x8200]  }
0xbc: {  	v3 =	vmax.f32 @!p1 v3, v1  }
0xbd: {  	v2 =	vmax.f32 @!p1 v2, v1;
	[tilespmem:s23+$0x8230] =	vst @!p1 v3  }
0xbe: {  	v9 =	vld @!p1 [tilespmem:s23+$0x8250];
	v10 =	vmax.f32 @!p1 v4, v1;
	v11 =	vmax.f32 @!p1 v8, v1;
	v3 =	vmax.f32 @!p1 v5, v1;
	[tilespmem:s23+$0x8270] =	vst @!p1 v2  }
0xbf: {  	s18 =	simm.s32 $0x240;
	v4 =	vimm.f32 $-Inf;
	v8 =	vimm.f32 $-Inf;
	v5 =	vmax.f32 @!p1 v6, v1;
	[tilespmem:s23+$0x8260] =	vst @!p1 v3  }
0xc0: {  	s20 =	simm.s32 $0x8;
	s21 =	simm.s32 $0x2C0;
	s19 =	simm.f32 @!p1 $-Inf;
	v6 =	vmax.f32 @!p1 v7, v1;
	v2 =	vimm.f32 $-Inf;
	v7 =	vimm.f32 $-Inf;
	[tilespmem:s23+$0x8240] =	vst @!p1 v5  }
0xc1: {  	s22 =	simm.s32 $0x1;
	s19 =	simm.f32 @p1 $0.0e+00;
	s16 =	simm.s32 $0x2C0;
	v5 =	vimm.f32 $-Inf;
	v3 =	vimm.f32 $-Inf;
	[tilespmem:s23+$0x8200] =	vst @!p1 v6;
	v6 =	vimm.f32 $-Inf  }
.LBB2_10:
0xc2: {  	s21 =	sadd.s32 $0x80, s21;
	[tilespmem:s23+$0x8210] =	vst @!p1 v11;
	s24 =	smov.u32 s20;
	s20 =	sadd.s32 $0x4, s20  }
0xc3: {  	v9 =	vmax.f32 @!p1 v9, v1;
	p2 =	sne.s32 s20, $0x400;
	[tilespmem:s23+$0x8220] =	vst @!p1 v10  }
0xc4: {  	s24 =	sshra.s32 s24, $0x2;
	[tilespmem:s23+$0x8250] =	vst @!p1 v9  }
0xc5: {  	v9 =	vld [tilespmem:s22+$0x80];
	s22 =	smov.u32 s24  }
0xc6: {  	v10 =	vld [tilespmem:s18+$0xFFFFFFC0]  }
0xc7: {  	v11 =	vld [tilespmem:s18+$0x30]  }
0xc8: {  	v12 =	vld [tilespmem:s18+$0x20]  }
0xc9: {  	v2 =	vadd.f32 s19, v2;
	v13 =	vld [tilespmem:s18+$0x10]  }
0xca: {  	v7 =	vadd.f32 s19, v7;
	(v2sf) =	vpush v9, $0x0;
	v9 =	vld [tilespmem:s18+$0xFFFFFFD0]  }
0xcb: {  	v5 =	vadd.f32 s19, v5;
	v2 =	vmax.f32 v2, v10;
	v10 =	vld [tilespmem:s18+$0x0]  }
0xcc: {  	v1 =	vadd.f32 s19, v1;
	v14 =	vld [tilespmem:s18+$0xFFFFFFF0];
	v7 =	vmax.f32 v7, v11  }
0xcd: {  	v3 =	vadd.f32 s19, v3;
	v11 =	vld [tilespmem:s18+$0xFFFFFFE0];
	v5 =	vmax.f32 v5, v12;
	s18 =	smov.u32 s16;
	s16 =	smov.u32 s21  }
0xce: {  	v6 =	vadd.f32 s19, v6;
	v1 =	vmax.f32 v1, v13  }
0xcf: {  	v4 =	vadd.f32 s19, v4;
	v8 =	vadd.f32 s19, v8;
	v3 =	vmax.f32 v3, v9  }
0xd0: {  	v6 =	vmax.f32 v6, v10  }
0xd1: {  	v8 =	vmax.f32 v8, v14  }
0xd2: {  	v4 =	vmax.f32 v4, v11;
	_ =	sdelay $0x6  }
0xd3: {  	s24 =	spop (v2sf)  }
0xd4: {  	p1 =	seq.s32 s24, s17  }
0xd5: {  	p3 =	sge.s32 @!p1 s17, s5;
	p4 =	slt.s32 @!p1 s17, s6;
	s17 =	ssub.s32 @!p1 s17, s5  }
0xd6: {  	s23 =	sshll.u32 @!p1 s17, $0x7;
	p4 =	por !p4, p1;
	p3 =	por !p3, p1  }
0xd7: {  	s19 =	simm.f32 @!p1 $-Inf;
	s17 =	smov.u32 s24;
	s23 =	simm.s32 @p4 $0xA000  }
0xd8: {  	s19 =	simm.f32 @p1 $0.0e+00;
	s23 =	simm.s32 @p3 $0xA000  }
0xd9: {  	v9 =	vld @!p1 [tilespmem:s23+$0x8270]  }
0xda: {  	v10 =	vld @!p1 [tilespmem:s23+$0x8230]  }
0xdb: {  	v11 =	vld @!p1 [tilespmem:s23+$0x8220]  }
0xdc: {  	v12 =	vld @!p1 [tilespmem:s23+$0x8260]  }
0xdd: {  	v13 =	vld @!p1 [tilespmem:s23+$0x8240]  }
0xde: {  	v14 =	vld @!p1 [tilespmem:s23+$0x8200];
	v15 =	vmax.f32 @!p1 v9, v7  }
0xdf: {  	v16 =	vld @!p1 [tilespmem:s23+$0x8210];
	v9 =	vmax.f32 @!p1 v10, v8  }
.Ltmp6:
0xe0: {  	[tilespmem:s23+$0x8230] =	vst @!p1 v9;
	v9 =	vld @!p1 [tilespmem:s23+$0x8250];
	(pc) =	sbr.rel @p2 .LBB2_10-.Ltmp6, $4  }
0xe1: {  	v10 =	vmax.f32 @!p1 v12, v5;
	[tilespmem:s23+$0x8270] =	vst @!p1 v15  }
0xe2: {  	v12 =	vmax.f32 @!p1 v13, v6;
	[tilespmem:s23+$0x8260] =	vst @!p1 v10  }
0xe3: {  	v10 =	vmax.f32 @!p1 v11, v4;
	v13 =	vmax.f32 @!p1 v14, v2;
	[tilespmem:s23+$0x8240] =	vst @!p1 v12  }
0xe4: {  	[tilespmem:s23+$0x8200] =	vst @!p1 v13;
	v11 =	vmax.f32 @!p1 v16, v3  }
0xe5: {  	[tilespmem:s23+$0x8210] =	vst @!p1 v11  }
0xe6: {  	[tilespmem:s23+$0x8220] =	vst @!p1 v10;
	v9 =	vmax.f32 @!p1 v9, v1  }
0xe7: {  	[tilespmem:s23+$0x8250] =	vst @!p1 v9  }
0xe8: {  	v9 =	vld [tilespmem:s22+$0x80];
	_ =	sdelay $0x4  }
0xe9: {  	(v2sf) =	vpush v9, $0x0;
	_ =	sdelay $0xc  }
0xea: {  	v56 =	vld [tilespmem:s18+$0xFFFFFFC0]  }
0xeb: {  	v10 =	vld [tilespmem:s18+$0x30]  }
0xec: {  	v11 =	vld [tilespmem:s18+$0x20];
	s20 =	spop (v2sf)  }
0xed: {  	v12 =	vld [tilespmem:s18+$0x10];
	p1 =	seq.s32 s20, s17  }
0xee: {  	v13 =	vld [tilespmem:s18+$0xFFFFFFD0];
	p2 =	slt.s32 @!p1 s17, s6;
	s21 =	ssub.s32 @!p1 s17, s5  }
0xef: {  	v14 =	vld [tilespmem:s18+$0x0];
	p3 =	sge.s32 @!p1 s17, s5;
	s17 =	sshll.u32 @!p1 s21, $0x7;
	p2 =	por !p2, p1  }
0xf0: {  	v15 =	vld [tilespmem:s18+$0xFFFFFFF0];
	p3 =	por !p3, p1;
	s17 =	simm.s32 @p2 $0xA000  }
0xf1: {  	v16 =	vld [tilespmem:s18+$0xFFFFFFE0];
	s17 =	simm.s32 @p3 $0xA000  }
0xf2: {  	v18 =	vld @!p1 [tilespmem:s17+$0x8230]  }
0xf3: {  	v17 =	vld @!p1 [tilespmem:s17+$0x8270]  }
0xf4: {  	v8 =	vadd.f32 s19, v8;
	v21 =	vld @!p1 [tilespmem:s17+$0x8240]  }
0xf5: {  	v7 =	vadd.f32 s19, v7;
	v20 =	vld @!p1 [tilespmem:s17+$0x8260]  }
0xf6: {  	v5 =	vadd.f32 s19, v5;
	v6 =	vadd.f32 s19, v6;
	v8 =	vmax.f32 v8, v15;
	v22 =	vld @!p1 [tilespmem:s17+$0x8210]  }
0xf7: {  	v3 =	vadd.f32 s19, v3;
	v7 =	vmax.f32 v7, v10;
	v15 =	vld @!p1 [tilespmem:s17+$0x8200];
	v18 =	vmax.f32 @!p1 v18, v8  }
0xf8: {  	v5 =	vmax.f32 v5, v11;
	v6 =	vmax.f32 v6, v14;
	v11 =	vld @!p1 [tilespmem:s17+$0x8250];
	v10 =	vmax.f32 @!p1 v17, v7;
	[tilespmem:s17+$0x8230] =	vst @!p1 v18  }
0xf9: {  	v2 =	vadd.f32 s19, v2;
	v19 =	vld @!p1 [tilespmem:s17+$0x8220];
	v9 =	vmax.f32 @!p1 v21, v6;
	[tilespmem:s17+$0x8270] =	vst @!p1 v10  }
0xfa: {  	v1 =	vadd.f32 s19, v1;
	v3 =	vmax.f32 v3, v13;
	v10 =	vmax.f32 @!p1 v20, v5;
	[tilespmem:s17+$0x8240] =	vst @!p1 v9  }
0xfb: {  	v4 =	vadd.f32 s19, v4;
	v2 =	vmax.f32 v2, v56;
	v9 =	vmax.f32 @!p1 v22, v3;
	[tilespmem:s17+$0x8260] =	vst @!p1 v10  }
0xfc: {  	v1 =	vmax.f32 v1, v12;
	v10 =	vmax.f32 @!p1 v15, v2;
	[tilespmem:s17+$0x8210] =	vst @!p1 v9  }
0xfd: {  	v4 =	vmax.f32 v4, v16;
	v9 =	vmax.f32 @!p1 v11, v1;
	[tilespmem:s17+$0x8200] =	vst @!p1 v10  }
0xfe: {  	v10 =	vmax.f32 @!p1 v19, v4;
	[tilespmem:s17+$0x8250] =	vst @!p1 v9  }
0xff: {  	s31 =	ssub.s32 s20, s5;
	[tilespmem:s17+$0x8220] =	vst @!p1 v10  }
0x100: {  	p2 =	slt.s32 s20, s6;
	s17 =	sshll.u32 s31, $0x7;
	v9 =	vld [tilespmem:s16+$0xFFFFFFC0]  }
0x101: {  	p3 =	sge.s32 s20, s5;
	v10 =	vld [tilespmem:s16+$0x30];
	s17 =	simm.s32 @!p2 $0xA000  }
0x102: {  	v57 =	vld [tilespmem:s16+$0x20];
	s17 =	simm.s32 @!p3 $0xA000  }
0x103: {  	s18 =	simm.f32 @!p1 $-Inf;
	v58 =	vld [tilespmem:s17+$0x8200]  }
0x104: {  	s18 =	simm.f32 @p1 $0.0e+00;
	v59 =	vld [tilespmem:s16+$0x10]  }
0x105: {  	v2 =	vadd.f32 s18, v2;
	v60 =	vld [tilespmem:s16+$0xFFFFFFD0]  }
0x106: {  	v61 =	vld [tilespmem:s16+$0x0]  }
0x107: {  	v62 =	vld [tilespmem:s16+$0xFFFFFFF0];
	v2 =	vmax.f32 v2, v9  }
0x108: {  	v63 =	vld [tilespmem:s16+$0xFFFFFFE0];
	v2 =	vmax.f32 v58, v2  }
0x109: {  	[tilespmem:s17+$0x8200] =	vst v2;
	v2 =	vld [tilespmem:s17+$0x8210];
	_ =	sdelay $0x1  }
0x10a: {  	v3 =	vadd.f32 s18, v3;
	_ =	sdelay $0x1  }
0x10b: {  	v3 =	vmax.f32 v3, v60  }
0x10c: {  	v2 =	vmax.f32 v2, v3  }
0x10d: {  	[tilespmem:s17+$0x8210] =	vst v2;
	v2 =	vld [tilespmem:s17+$0x8220];
	_ =	sdelay $0x1  }
0x10e: {  	v3 =	vadd.f32 s18, v4;
	_ =	sdelay $0x1  }
0x10f: {  	v3 =	vmax.f32 v3, v63  }
0x110: {  	v2 =	vmax.f32 v2, v3  }
0x111: {  	[tilespmem:s17+$0x8220] =	vst v2;
	v2 =	vld [tilespmem:s17+$0x8230];
	_ =	sdelay $0x1  }
0x112: {  	v3 =	vadd.f32 s18, v8;
	_ =	sdelay $0x1  }
0x113: {  	v3 =	vmax.f32 v3, v62  }
0x114: {  	v2 =	vmax.f32 v2, v3  }
0x115: {  	[tilespmem:s17+$0x8230] =	vst v2;
	v2 =	vld [tilespmem:s17+$0x8240];
	_ =	sdelay $0x1  }
0x116: {  	v3 =	vadd.f32 s18, v6;
	_ =	sdelay $0x1  }
0x117: {  	v3 =	vmax.f32 v3, v61  }
0x118: {  	v2 =	vmax.f32 v2, v3  }
0x119: {  	[tilespmem:s17+$0x8240] =	vst v2;
	v2 =	vld [tilespmem:s17+$0x8250];
	_ =	sdelay $0x1  }
0x11a: {  	v1 =	vadd.f32 s18, v1;
	_ =	sdelay $0x1  }
0x11b: {  	v1 =	vmax.f32 v1, v59  }
0x11c: {  	v1 =	vmax.f32 v2, v1  }
0x11d: {  	[tilespmem:s17+$0x8250] =	vst v1;
	v1 =	vld [tilespmem:s17+$0x8260];
	_ =	sdelay $0x1  }
0x11e: {  	v2 =	vadd.f32 s18, v5;
	_ =	sdelay $0x1  }
0x11f: {  	v2 =	vmax.f32 v2, v57  }
0x120: {  	v1 =	vmax.f32 v1, v2  }
0x121: {  	s14 =	sadd.s32 $0x1, s14;
	[tilespmem:s17+$0x8260] =	vst v1;
	v1 =	vld [tilespmem:s17+$0x8270]  }
0x122: {  	p1 =	slt.s32 s14, s15  }
.Ltmp7:
0x123: {  	v2 =	vadd.f32 s18, v7;
	(pc) =	sbr.rel @p1 .LBB2_9-.Ltmp7, $4  }
.Ltmp8:
0x124: {  	_ = 	snop;
	(pc) =	sbr.rel @!p1 .LBB2_12-.Ltmp8, $4  }
0x125: {  	v2 =	vmax.f32 v2, v10  }
0x126: {  	v1 =	vmax.f32 v1, v2  }
0x127: {  	[tilespmem:s17+$0x8270] =	vst v1  }
0x128: {  	_ = 	snop  }
.LBB2_13:
0x129: {  	_ =	sfence.sel $0x180000  }
0x12a: {  	[bflag:$0x0] =	sbarrier.arrive $0xFFFF  }
0x12b: {  	p0 =	sne.s32 s0, $0x0;
	_ =	strace $0x90000047  }
0x12c: {  	s0 =	sadd.s32 @!p0 $0x100000, s2;
	[bflag:$0x2] =	sbarrier.arrive $0xFFFF  }
0x12d: {  	[sflag:s0] =	ssyncadd.tile.s32 @!p0 $0x1;
	_ =	shalt  }
.Lfunc_end2:
_tile_overlayer_lowered:
.L_overlay_start_2:
0x12e: {  	(tag) =	ssettag $0x2  }
0x12f: {  	s0 =	rddreg [dreg:$0x0];
	s2 =	stileid.u32  }
0x130: {  	s1 =	rddreg [dreg:$0x1];
	p0 =	sne.s32 s2, $0x0  }
0x131: {  	s3 =	rddreg [dreg:$0x2];
	[bflag:$0x3] =	sbarrier.arrive $0xFFFF;
	s2 =	simm.s32 @!p0 $0x1C01  }
0x132: {  	[timem:s3], [sflag:s2] =	dma.local @!p0 [hbm:s0], s1  }
0x133: {  	s0 =	simm.s32 @!p0 $0x1  }
0x134: {  	_ =	swait.ge @!p0 [sflag:s0], s1  }
0x135: {  	s1 =	ssub.s32 @!p0 $0x0, s1;
	[sflag:s0] =	ssyncset.done @!p0 $0x0  }
0x136: {  	[sflag:s0] =	ssyncadd.s32 @!p0 s1  }
0x137: {  	[bflag:$0x3] =	sbarrier.arrive $0xFFFF  }
0x138: {  	_ =	shalt  }

</sc_bundles>
